<compile_context>
chip_gen: v7x
topology: tpu7x:2x2x1
jax: 0.10.2.dev20260603
libtpu: 0.0.44.dev20260713+nightly
codegen_flags: <defaults>
</compile_context>

<pallas_src>
import functools

import jax
import jax.numpy as jnp
from jax import lax
from jax.experimental import pallas as pl
from jax.experimental.pallas import tpu as pltpu
from jax.experimental.pallas import tpu_sc as plsc

_LANES = 16
_CHUNK = 1024


def _features_linear_sc(B, F, NW, NC):
    bpw = B // NW
    n_idx = F * bpw
    n_gather = n_idx // _CHUNK

    mesh = plsc.VectorSubcoreMesh(core_axis_name="c", subcore_axis_name="s")

    @functools.partial(
        pl.kernel,
        mesh=mesh,
        out_type=jax.ShapeDtypeStruct((B,), jnp.float32),
        scratch_types=[
            pltpu.VMEM((n_idx,), jnp.int32),
            pltpu.VMEM((n_idx,), jnp.float32),
            pltpu.VMEM((bpw,), jnp.float32),
            pltpu.VMEM((_LANES,), jnp.float32),
            pltpu.SemaphoreType.DMA,
        ],
    )
    def run(xt_hbm, t_hbm, b_hbm, out_hbm, idx_v, rows_v, out_v, bias_v, sem):
        wid = lax.axis_index("s") * NC + lax.axis_index("c")
        base = wid * bpw

        for f in range(F):
            pltpu.async_copy(
                xt_hbm.at[f, pl.ds(base, bpw)],
                idx_v.at[pl.ds(f * bpw, bpw)],
                sem,
            )
        pltpu.sync_copy(b_hbm, bias_v.at[pl.ds(0, 1)])
        pltpu.make_async_copy(
            xt_hbm.at[0, pl.ds(0, n_idx)], idx_v, sem
        ).wait()

        def gather_body(g, carry):
            off = g * _CHUNK
            pltpu.async_copy(
                t_hbm.at[idx_v.at[pl.ds(off, _CHUNK)]],
                rows_v.at[pl.ds(off, _CHUNK)],
                sem,
            )
            return carry

        lax.fori_loop(0, n_gather, gather_body, 0)
        pltpu.make_async_copy(t_hbm.at[pl.ds(0, n_idx)], rows_v, sem).wait()

        b0 = bias_v[pl.ds(0, _LANES)][0]

        def acc_body(t, carry):
            off = t * _LANES
            acc = jnp.zeros((_LANES,), jnp.float32) + b0
            for f in range(F):
                acc = acc + rows_v[pl.ds(f * bpw + off, _LANES)]
            out_v[pl.ds(off, _LANES)] = acc
            return carry

        lax.fori_loop(0, bpw // _LANES, acc_body, 0)

        pltpu.sync_copy(out_v, out_hbm.at[pl.ds(base, bpw)])

    return run


def kernel(x, table, bias):
    B, F = x.shape
    V, D = table.shape
    assert D == 1

    info = plsc.get_sparse_core_info()
    NC, NS = info.num_cores, info.num_subcores
    NW = NC * NS

    bpw = B // NW
    assert B % (NW * _LANES) == 0 and (F * bpw) % _CHUNK == 0

    xt = x.astype(jnp.int32).T

    vh = V // 1024 * 1024
    t_flat = jnp.concatenate(
        [table[:vh].reshape(-1), table[vh:].reshape(-1)]
    )

    out = _features_linear_sc(B, F, NW, NC)(xt, t_flat, bias)
    return out.reshape(B, 1)

# --- scband reference (transcript-rebuilt; emitter-appended) ---
"""Pipeline reference for scband-features-linear-9904194585321 (READ-ONLY COPY).

The authoritative reference and input builder live on the scoring server;
editing this copy changes nothing except your own understanding.
"""

import jax, jax.numpy as jnp
import numpy as np

FIELD_DIMS = 1000000
OUTPUT_DIM = 1
BATCH = 16384
NUM_FIELDS = 26

def setup_inputs(seed: int = 0) -> dict:
    key = jax.random.key(seed)
    k1, k2 = jax.random.split(key)
    x = jax.random.randint(k1, (BATCH, NUM_FIELDS), 0, FIELD_DIMS, dtype=jnp.int64) if jax.config.jax_enable_x64 else jax.random.randint(k1, (BATCH, NUM_FIELDS), 0, FIELD_DIMS, dtype=jnp.int32)
    # Original torch code initializes fc.weight to uniform(0,0)==zeros; use small random
    # values instead so the computation is non-trivial but stay faithful in structure.
    table = jax.random.normal(k2, (FIELD_DIMS, OUTPUT_DIM), dtype=jnp.float32) * 0.01
    bias = jnp.zeros((OUTPUT_DIM,), dtype=jnp.float32)
    return {"x": x, "table": table, "bias": bias}

def reference(x, table, bias):
    # fc(x): gather rows of embedding table -> (B, num_fields, output_dim)
    emb = jnp.take(table, x, axis=0)
    # sum over fields + bias -> (B, output_dim)
    out = jnp.sum(emb, axis=1) + bias
    return out

if __name__ == "__main__":
    import jax
    _d = setup_inputs()
    print(jax.jit(kernel)(*tuple(_d.values())))

</pallas_src>

<mosaic_0001>
#map = affine_map<(d0, d1) -> (0, 0)>
#map1 = affine_map<(d0, d1) -> (0)>
module attributes {stable_mosaic.version = 14 : i64} {
  func.func @run(%arg0: i32, %arg1: i32, %arg2: memref<26x16384xi32, #tpu.memory_space<hbm>>, %arg3: memref<1000000xf32, #tpu.memory_space<hbm>>, %arg4: memref<1xf32, #tpu.memory_space<hbm>>, %arg5: memref<16384xf32, #tpu.memory_space<hbm>>, %arg6: memref<13312xi32, #tpu.memory_space<vmem>>, %arg7: memref<13312xf32, #tpu.memory_space<vmem>>, %arg8: memref<512xf32, #tpu.memory_space<vmem>>, %arg9: memref<16xf32, #tpu.memory_space<vmem>>, %arg10: memref<!tpu.dma_semaphore, #tpu.memory_space<semaphore_mem>>) attributes {dimension_semantics = [#tpu.dimension_semantics<core_parallel>, #tpu.dimension_semantics<subcore_parallel>], iteration_bounds = array<i64: 2, 16>, scalar_prefetch = 0 : i64, scratch_operands = 5 : i64, tpu.core_type = #tpu.core_type<sc_vector_subcore>, window_params = [{transform_indices = #map}, {transform_indices = #map1}, {transform_indices = #map1}, {transform_indices = #map1}]} {
    %mul3A = arith.constant 2 : i32
    %mul3A_0 = arith.muli %arg1, %mul3A : i32
    %add3A = arith.addi %mul3A_0, %arg0 : i32
    %mul3A_1 = arith.constant 512 : i32
    %mul3A_2 = arith.muli %add3A, %mul3A_1 : i32
    %dma_start3A = arith.constant 0 : i32
    %dma_start3A_3 = arith.constant 0 : i32
    %dma_start3A_4 = tpu.memref_slice %arg6[%dma_start3A_3] : memref<13312xi32, #tpu.memory_space<vmem>> -> memref<512xi32, #tpu.memory_space<vmem>>
    %dma_start3A_5 = tpu.memref_slice %arg2[%dma_start3A, %mul3A_2] : memref<26x16384xi32, #tpu.memory_space<hbm>> -> memref<1x512xi32, #tpu.memory_space<hbm>>
    %dma_start3A_6 = tpu.memref_squeeze %dma_start3A_5 : memref<1x512xi32, #tpu.memory_space<hbm>> -> memref<512xi32, #tpu.memory_space<hbm>>
    %dma_start3A_7 = arith.constant 0 : i32
    %dma_start3A_8 = tpu.memref_slice %arg6[%dma_start3A_7] : memref<13312xi32, #tpu.memory_space<vmem>> -> memref<512xi32, #tpu.memory_space<vmem>>
    %dma_start3A_9 = tpu.memref_slice %arg2[%dma_start3A, %mul3A_2] : memref<26x16384xi32, #tpu.memory_space<hbm>> -> memref<1x512xi32, #tpu.memory_space<hbm>>
    %dma_start3A_10 = tpu.memref_squeeze %dma_start3A_9 : memref<1x512xi32, #tpu.memory_space<hbm>> -> memref<512xi32, #tpu.memory_space<hbm>>
    tpu.enqueue_dma source(%dma_start3A_10 : memref<512xi32, #tpu.memory_space<hbm>>) target(%dma_start3A_8 : memref<512xi32, #tpu.memory_space<vmem>>) target_semaphore(%arg10 : memref<!tpu.dma_semaphore, #tpu.memory_space<semaphore_mem>>)
    %dma_start3A_11 = arith.constant 1 : i32
    %dma_start3A_12 = arith.constant 512 : i32
    %dma_start3A_13 = tpu.memref_slice %arg6[%dma_start3A_12] : memref<13312xi32, #tpu.memory_space<vmem>> -> memref<512xi32, #tpu.memory_space<vmem>>
    %dma_start3A_14 = tpu.memref_slice %arg2[%dma_start3A_11, %mul3A_2] : memref<26x16384xi32, #tpu.memory_space<hbm>> -> memref<1x512xi32, #tpu.memory_space<hbm>>
    %dma_start3A_15 = tpu.memref_squeeze %dma_start3A_14 : memref<1x512xi32, #tpu.memory_space<hbm>> -> memref<512xi32, #tpu.memory_space<hbm>>
    %dma_start3A_16 = arith.constant 512 : i32
    %dma_start3A_17 = tpu.memref_slice %arg6[%dma_start3A_16] : memref<13312xi32, #tpu.memory_space<vmem>> -> memref<512xi32, #tpu.memory_space<vmem>>
    %dma_start3A_18 = tpu.memref_slice %arg2[%dma_start3A_11, %mul3A_2] : memref<26x16384xi32, #tpu.memory_space<hbm>> -> memref<1x512xi32, #tpu.memory_space<hbm>>
    %dma_start3A_19 = tpu.memref_squeeze %dma_start3A_18 : memref<1x512xi32, #tpu.memory_space<hbm>> -> memref<512xi32, #tpu.memory_space<hbm>>
    tpu.enqueue_dma source(%dma_start3A_19 : memref<512xi32, #tpu.memory_space<hbm>>) target(%dma_start3A_17 : memref<512xi32, #tpu.memory_space<vmem>>) target_semaphore(%arg10 : memref<!tpu.dma_semaphore, #tpu.memory_space<semaphore_mem>>)
    %dma_start3A_20 = arith.constant 2 : i32
    %dma_start3A_21 = arith.constant 1024 : i32
    %dma_start3A_22 = tpu.memref_slice %arg6[%dma_start3A_21] : memref<13312xi32, #tpu.memory_space<vmem>> -> memref<512xi32, #tpu.memory_space<vmem>>
    %dma_start3A_23 = tpu.memref_slice %arg2[%dma_start3A_20, %mul3A_2] : memref<26x16384xi32, #tpu.memory_space<hbm>> -> memref<1x512xi32, #tpu.memory_space<hbm>>
    %dma_start3A_24 = tpu.memref_squeeze %dma_start3A_23 : memref<1x512xi32, #tpu.memory_space<hbm>> -> memref<512xi32, #tpu.memory_space<hbm>>
    %dma_start3A_25 = arith.constant 1024 : i32
    %dma_start3A_26 = tpu.memref_slice %arg6[%dma_start3A_25] : memref<13312xi32, #tpu.memory_space<vmem>> -> memref<512xi32, #tpu.memory_space<vmem>>
    %dma_start3A_27 = tpu.memref_slice %arg2[%dma_start3A_20, %mul3A_2] : memref<26x16384xi32, #tpu.memory_space<hbm>> -> memref<1x512xi32, #tpu.memory_space<hbm>>
    %dma_start3A_28 = tpu.memref_squeeze %dma_start3A_27 : memref<1x512xi32, #tpu.memory_space<hbm>> -> memref<512xi32, #tpu.memory_space<hbm>>
    tpu.enqueue_dma source(%dma_start3A_28 : memref<512xi32, #tpu.memory_space<hbm>>) target(%dma_start3A_26 : memref<512xi32, #tpu.memory_space<vmem>>) target_semaphore(%arg10 : memref<!tpu.dma_semaphore, #tpu.memory_space<semaphore_mem>>)
    %dma_start3A_29 = arith.constant 3 : i32
    %dma_start3A_30 = arith.constant 1536 : i32
    %dma_start3A_31 = tpu.memref_slice %arg6[%dma_start3A_30] : memref<13312xi32, #tpu.memory_space<vmem>> -> memref<512xi32, #tpu.memory_space<vmem>>
    %dma_start3A_32 = tpu.memref_slice %arg2[%dma_start3A_29, %mul3A_2] : memref<26x16384xi32, #tpu.memory_space<hbm>> -> memref<1x512xi32, #tpu.memory_space<hbm>>
    %dma_start3A_33 = tpu.memref_squeeze %dma_start3A_32 : memref<1x512xi32, #tpu.memory_space<hbm>> -> memref<512xi32, #tpu.memory_space<hbm>>
    %dma_start3A_34 = arith.constant 1536 : i32
    %dma_start3A_35 = tpu.memref_slice %arg6[%dma_start3A_34] : memref<13312xi32, #tpu.memory_space<vmem>> -> memref<512xi32, #tpu.memory_space<vmem>>
    %dma_start3A_36 = tpu.memref_slice %arg2[%dma_start3A_29, %mul3A_2] : memref<26x16384xi32, #tpu.memory_space<hbm>> -> memref<1x512xi32, #tpu.memory_space<hbm>>
    %dma_start3A_37 = tpu.memref_squeeze %dma_start3A_36 : memref<1x512xi32, #tpu.memory_space<hbm>> -> memref<512xi32, #tpu.memory_space<hbm>>
    tpu.enqueue_dma source(%dma_start3A_37 : memref<512xi32, #tpu.memory_space<hbm>>) target(%dma_start3A_35 : memref<512xi32, #tpu.memory_space<vmem>>) target_semaphore(%arg10 : memref<!tpu.dma_semaphore, #tpu.memory_space<semaphore_mem>>)
    %dma_start3A_38 = arith.constant 4 : i32
    %dma_start3A_39 = arith.constant 2048 : i32
    %dma_start3A_40 = tpu.memref_slice %arg6[%dma_start3A_39] : memref<13312xi32, #tpu.memory_space<vmem>> -> memref<512xi32, #tpu.memory_space<vmem>>
    %dma_start3A_41 = tpu.memref_slice %arg2[%dma_start3A_38, %mul3A_2] : memref<26x16384xi32, #tpu.memory_space<hbm>> -> memref<1x512xi32, #tpu.memory_space<hbm>>
    %dma_start3A_42 = tpu.memref_squeeze %dma_start3A_41 : memref<1x512xi32, #tpu.memory_space<hbm>> -> memref<512xi32, #tpu.memory_space<hbm>>
    %dma_start3A_43 = arith.constant 2048 : i32
    %dma_start3A_44 = tpu.memref_slice %arg6[%dma_start3A_43] : memref<13312xi32, #tpu.memory_space<vmem>> -> memref<512xi32, #tpu.memory_space<vmem>>
    %dma_start3A_45 = tpu.memref_slice %arg2[%dma_start3A_38, %mul3A_2] : memref<26x16384xi32, #tpu.memory_space<hbm>> -> memref<1x512xi32, #tpu.memory_space<hbm>>
    %dma_start3A_46 = tpu.memref_squeeze %dma_start3A_45 : memref<1x512xi32, #tpu.memory_space<hbm>> -> memref<512xi32, #tpu.memory_space<hbm>>
    tpu.enqueue_dma source(%dma_start3A_46 : memref<512xi32, #tpu.memory_space<hbm>>) target(%dma_start3A_44 : memref<512xi32, #tpu.memory_space<vmem>>) target_semaphore(%arg10 : memref<!tpu.dma_semaphore, #tpu.memory_space<semaphore_mem>>)
    %dma_start3A_47 = arith.constant 5 : i32
    %dma_start3A_48 = arith.constant 2560 : i32
    %dma_start3A_49 = tpu.memref_slice %arg6[%dma_start3A_48] : memref<13312xi32, #tpu.memory_space<vmem>> -> memref<512xi32, #tpu.memory_space<vmem>>
    %dma_start3A_50 = tpu.memref_slice %arg2[%dma_start3A_47, %mul3A_2] : memref<26x16384xi32, #tpu.memory_space<hbm>> -> memref<1x512xi32, #tpu.memory_space<hbm>>
    %dma_start3A_51 = tpu.memref_squeeze %dma_start3A_50 : memref<1x512xi32, #tpu.memory_space<hbm>> -> memref<512xi32, #tpu.memory_space<hbm>>
    %dma_start3A_52 = arith.constant 2560 : i32
    %dma_start3A_53 = tpu.memref_slice %arg6[%dma_start3A_52] : memref<13312xi32, #tpu.memory_space<vmem>> -> memref<512xi32, #tpu.memory_space<vmem>>
    %dma_start3A_54 = tpu.memref_slice %arg2[%dma_start3A_47, %mul3A_2] : memref<26x16384xi32, #tpu.memory_space<hbm>> -> memref<1x512xi32, #tpu.memory_space<hbm>>
    %dma_start3A_55 = tpu.memref_squeeze %dma_start3A_54 : memref<1x512xi32, #tpu.memory_space<hbm>> -> memref<512xi32, #tpu.memory_space<hbm>>
    tpu.enqueue_dma source(%dma_start3A_55 : memref<512xi32, #tpu.memory_space<hbm>>) target(%dma_start3A_53 : memref<512xi32, #tpu.memory_space<vmem>>) target_semaphore(%arg10 : memref<!tpu.dma_semaphore, #tpu.memory_space<semaphore_mem>>)
    %dma_start3A_56 = arith.constant 6 : i32
    %dma_start3A_57 = arith.constant 3072 : i32
    %dma_start3A_58 = tpu.memref_slice %arg6[%dma_start3A_57] : memref<13312xi32, #tpu.memory_space<vmem>> -> memref<512xi32, #tpu.memory_space<vmem>>
    %dma_start3A_59 = tpu.memref_slice %arg2[%dma_start3A_56, %mul3A_2] : memref<26x16384xi32, #tpu.memory_space<hbm>> -> memref<1x512xi32, #tpu.memory_space<hbm>>
    %dma_start3A_60 = tpu.memref_squeeze %dma_start3A_59 : memref<1x512xi32, #tpu.memory_space<hbm>> -> memref<512xi32, #tpu.memory_space<hbm>>
    %dma_start3A_61 = arith.constant 3072 : i32
    %dma_start3A_62 = tpu.memref_slice %arg6[%dma_start3A_61] : memref<13312xi32, #tpu.memory_space<vmem>> -> memref<512xi32, #tpu.memory_space<vmem>>
    %dma_start3A_63 = tpu.memref_slice %arg2[%dma_start3A_56, %mul3A_2] : memref<26x16384xi32, #tpu.memory_space<hbm>> -> memref<1x512xi32, #tpu.memory_space<hbm>>
    %dma_start3A_64 = tpu.memref_squeeze %dma_start3A_63 : memref<1x512xi32, #tpu.memory_space<hbm>> -> memref<512xi32, #tpu.memory_space<hbm>>
    tpu.enqueue_dma source(%dma_start3A_64 : memref<512xi32, #tpu.memory_space<hbm>>) target(%dma_start3A_62 : memref<512xi32, #tpu.memory_space<vmem>>) target_semaphore(%arg10 : memref<!tpu.dma_semaphore, #tpu.memory_space<semaphore_mem>>)
    %dma_start3A_65 = arith.constant 7 : i32
    %dma_start3A_66 = arith.constant 3584 : i32
    %dma_start3A_67 = tpu.memref_slice %arg6[%dma_start3A_66] : memref<13312xi32, #tpu.memory_space<vmem>> -> memref<512xi32, #tpu.memory_space<vmem>>
    %dma_start3A_68 = tpu.memref_slice %arg2[%dma_start3A_65, %mul3A_2] : memref<26x16384xi32, #tpu.memory_space<hbm>> -> memref<1x512xi32, #tpu.memory_space<hbm>>
    %dma_start3A_69 = tpu.memref_squeeze %dma_start3A_68 : memref<1x512xi32, #tpu.memory_space<hbm>> -> memref<512xi32, #tpu.memory_space<hbm>>
    %dma_start3A_70 = arith.constant 3584 : i32
    %dma_start3A_71 = tpu.memref_slice %arg6[%dma_start3A_70] : memref<13312xi32, #tpu.memory_space<vmem>> -> memref<512xi32, #tpu.memory_space<vmem>>
    %dma_start3A_72 = tpu.memref_slice %arg2[%dma_start3A_65, %mul3A_2] : memref<26x16384xi32, #tpu.memory_space<hbm>> -> memref<1x512xi32, #tpu.memory_space<hbm>>
    %dma_start3A_73 = tpu.memref_squeeze %dma_start3A_72 : memref<1x512xi32, #tpu.memory_space<hbm>> -> memref<512xi32, #tpu.memory_space<hbm>>
    tpu.enqueue_dma source(%dma_start3A_73 : memref<512xi32, #tpu.memory_space<hbm>>) target(%dma_start3A_71 : memref<512xi32, #tpu.memory_space<vmem>>) target_semaphore(%arg10 : memref<!tpu.dma_semaphore, #tpu.memory_space<semaphore_mem>>)
    %dma_start3A_74 = arith.constant 8 : i32
    %dma_start3A_75 = arith.constant 4096 : i32
    %dma_start3A_76 = tpu.memref_slice %arg6[%dma_start3A_75] : memref<13312xi32, #tpu.memory_space<vmem>> -> memref<512xi32, #tpu.memory_space<vmem>>
    %dma_start3A_77 = tpu.memref_slice %arg2[%dma_start3A_74, %mul3A_2] : memref<26x16384xi32, #tpu.memory_space<hbm>> -> memref<1x512xi32, #tpu.memory_space<hbm>>
    %dma_start3A_78 = tpu.memref_squeeze %dma_start3A_77 : memref<1x512xi32, #tpu.memory_space<hbm>> -> memref<512xi32, #tpu.memory_space<hbm>>
    %dma_start3A_79 = arith.constant 4096 : i32
    %dma_start3A_80 = tpu.memref_slice %arg6[%dma_start3A_79] : memref<13312xi32, #tpu.memory_space<vmem>> -> memref<512xi32, #tpu.memory_space<vmem>>
    %dma_start3A_81 = tpu.memref_slice %arg2[%dma_start3A_74, %mul3A_2] : memref<26x16384xi32, #tpu.memory_space<hbm>> -> memref<1x512xi32, #tpu.memory_space<hbm>>
    %dma_start3A_82 = tpu.memref_squeeze %dma_start3A_81 : memref<1x512xi32, #tpu.memory_space<hbm>> -> memref<512xi32, #tpu.memory_space<hbm>>
    tpu.enqueue_dma source(%dma_start3A_82 : memref<512xi32, #tpu.memory_space<hbm>>) target(%dma_start3A_80 : memref<512xi32, #tpu.memory_space<vmem>>) target_semaphore(%arg10 : memref<!tpu.dma_semaphore, #tpu.memory_space<semaphore_mem>>)
    %dma_start3A_83 = arith.constant 9 : i32
    %dma_start3A_84 = arith.constant 4608 : i32
    %dma_start3A_85 = tpu.memref_slice %arg6[%dma_start3A_84] : memref<13312xi32, #tpu.memory_space<vmem>> -> memref<512xi32, #tpu.memory_space<vmem>>
    %dma_start3A_86 = tpu.memref_slice %arg2[%dma_start3A_83, %mul3A_2] : memref<26x16384xi32, #tpu.memory_space<hbm>> -> memref<1x512xi32, #tpu.memory_space<hbm>>
    %dma_start3A_87 = tpu.memref_squeeze %dma_start3A_86 : memref<1x512xi32, #tpu.memory_space<hbm>> -> memref<512xi32, #tpu.memory_space<hbm>>
    %dma_start3A_88 = arith.constant 4608 : i32
    %dma_start3A_89 = tpu.memref_slice %arg6[%dma_start3A_88] : memref<13312xi32, #tpu.memory_space<vmem>> -> memref<512xi32, #tpu.memory_space<vmem>>
    %dma_start3A_90 = tpu.memref_slice %arg2[%dma_start3A_83, %mul3A_2] : memref<26x16384xi32, #tpu.memory_space<hbm>> -> memref<1x512xi32, #tpu.memory_space<hbm>>
    %dma_start3A_91 = tpu.memref_squeeze %dma_start3A_90 : memref<1x512xi32, #tpu.memory_space<hbm>> -> memref<512xi32, #tpu.memory_space<hbm>>
    tpu.enqueue_dma source(%dma_start3A_91 : memref<512xi32, #tpu.memory_space<hbm>>) target(%dma_start3A_89 : memref<512xi32, #tpu.memory_space<vmem>>) target_semaphore(%arg10 : memref<!tpu.dma_semaphore, #tpu.memory_space<semaphore_mem>>)
    %dma_start3A_92 = arith.constant 10 : i32
    %dma_start3A_93 = arith.constant 5120 : i32
    %dma_start3A_94 = tpu.memref_slice %arg6[%dma_start3A_93] : memref<13312xi32, #tpu.memory_space<vmem>> -> memref<512xi32, #tpu.memory_space<vmem>>
    %dma_start3A_95 = tpu.memref_slice %arg2[%dma_start3A_92, %mul3A_2] : memref<26x16384xi32, #tpu.memory_space<hbm>> -> memref<1x512xi32, #tpu.memory_space<hbm>>
    %dma_start3A_96 = tpu.memref_squeeze %dma_start3A_95 : memref<1x512xi32, #tpu.memory_space<hbm>> -> memref<512xi32, #tpu.memory_space<hbm>>
    %dma_start3A_97 = arith.constant 5120 : i32
    %dma_start3A_98 = tpu.memref_slice %arg6[%dma_start3A_97] : memref<13312xi32, #tpu.memory_space<vmem>> -> memref<512xi32, #tpu.memory_space<vmem>>
    %dma_start3A_99 = tpu.memref_slice %arg2[%dma_start3A_92, %mul3A_2] : memref<26x16384xi32, #tpu.memory_space<hbm>> -> memref<1x512xi32, #tpu.memory_space<hbm>>
    %dma_start3A_100 = tpu.memref_squeeze %dma_start3A_99 : memref<1x512xi32, #tpu.memory_space<hbm>> -> memref<512xi32, #tpu.memory_space<hbm>>
    tpu.enqueue_dma source(%dma_start3A_100 : memref<512xi32, #tpu.memory_space<hbm>>) target(%dma_start3A_98 : memref<512xi32, #tpu.memory_space<vmem>>) target_semaphore(%arg10 : memref<!tpu.dma_semaphore, #tpu.memory_space<semaphore_mem>>)
    %dma_start3A_101 = arith.constant 11 : i32
    %dma_start3A_102 = arith.constant 5632 : i32
    %dma_start3A_103 = tpu.memref_slice %arg6[%dma_start3A_102] : memref<13312xi32, #tpu.memory_space<vmem>> -> memref<512xi32, #tpu.memory_space<vmem>>
    %dma_start3A_104 = tpu.memref_slice %arg2[%dma_start3A_101, %mul3A_2] : memref<26x16384xi32, #tpu.memory_space<hbm>> -> memref<1x512xi32, #tpu.memory_space<hbm>>
    %dma_start3A_105 = tpu.memref_squeeze %dma_start3A_104 : memref<1x512xi32, #tpu.memory_space<hbm>> -> memref<512xi32, #tpu.memory_space<hbm>>
    %dma_start3A_106 = arith.constant 5632 : i32
    %dma_start3A_107 = tpu.memref_slice %arg6[%dma_start3A_106] : memref<13312xi32, #tpu.memory_space<vmem>> -> memref<512xi32, #tpu.memory_space<vmem>>
    %dma_start3A_108 = tpu.memref_slice %arg2[%dma_start3A_101, %mul3A_2] : memref<26x16384xi32, #tpu.memory_space<hbm>> -> memref<1x512xi32, #tpu.memory_space<hbm>>
    %dma_start3A_109 = tpu.memref_squeeze %dma_start3A_108 : memref<1x512xi32, #tpu.memory_space<hbm>> -> memref<512xi32, #tpu.memory_space<hbm>>
    tpu.enqueue_dma source(%dma_start3A_109 : memref<512xi32, #tpu.memory_space<hbm>>) target(%dma_start3A_107 : memref<512xi32, #tpu.memory_space<vmem>>) target_semaphore(%arg10 : memref<!tpu.dma_semaphore, #tpu.memory_space<semaphore_mem>>)
    %dma_start3A_110 = arith.constant 12 : i32
    %dma_start3A_111 = arith.constant 6144 : i32
    %dma_start3A_112 = tpu.memref_slice %arg6[%dma_start3A_111] : memref<13312xi32, #tpu.memory_space<vmem>> -> memref<512xi32, #tpu.memory_space<vmem>>
    %dma_start3A_113 = tpu.memref_slice %arg2[%dma_start3A_110, %mul3A_2] : memref<26x16384xi32, #tpu.memory_space<hbm>> -> memref<1x512xi32, #tpu.memory_space<hbm>>
    %dma_start3A_114 = tpu.memref_squeeze %dma_start3A_113 : memref<1x512xi32, #tpu.memory_space<hbm>> -> memref<512xi32, #tpu.memory_space<hbm>>
    %dma_start3A_115 = arith.constant 6144 : i32
    %dma_start3A_116 = tpu.memref_slice %arg6[%dma_start3A_115] : memref<13312xi32, #tpu.memory_space<vmem>> -> memref<512xi32, #tpu.memory_space<vmem>>
    %dma_start3A_117 = tpu.memref_slice %arg2[%dma_start3A_110, %mul3A_2] : memref<26x16384xi32, #tpu.memory_space<hbm>> -> memref<1x512xi32, #tpu.memory_space<hbm>>
    %dma_start3A_118 = tpu.memref_squeeze %dma_start3A_117 : memref<1x512xi32, #tpu.memory_space<hbm>> -> memref<512xi32, #tpu.memory_space<hbm>>
    tpu.enqueue_dma source(%dma_start3A_118 : memref<512xi32, #tpu.memory_space<hbm>>) target(%dma_start3A_116 : memref<512xi32, #tpu.memory_space<vmem>>) target_semaphore(%arg10 : memref<!tpu.dma_semaphore, #tpu.memory_space<semaphore_mem>>)
    %dma_start3A_119 = arith.constant 13 : i32
    %dma_start3A_120 = arith.constant 6656 : i32
    %dma_start3A_121 = tpu.memref_slice %arg6[%dma_start3A_120] : memref<13312xi32, #tpu.memory_space<vmem>> -> memref<512xi32, #tpu.memory_space<vmem>>
    %dma_start3A_122 = tpu.memref_slice %arg2[%dma_start3A_119, %mul3A_2] : memref<26x16384xi32, #tpu.memory_space<hbm>> -> memref<1x512xi32, #tpu.memory_space<hbm>>
    %dma_start3A_123 = tpu.memref_squeeze %dma_start3A_122 : memref<1x512xi32, #tpu.memory_space<hbm>> -> memref<512xi32, #tpu.memory_space<hbm>>
    %dma_start3A_124 = arith.constant 6656 : i32
    %dma_start3A_125 = tpu.memref_slice %arg6[%dma_start3A_124] : memref<13312xi32, #tpu.memory_space<vmem>> -> memref<512xi32, #tpu.memory_space<vmem>>
    %dma_start3A_126 = tpu.memref_slice %arg2[%dma_start3A_119, %mul3A_2] : memref<26x16384xi32, #tpu.memory_space<hbm>> -> memref<1x512xi32, #tpu.memory_space<hbm>>
    %dma_start3A_127 = tpu.memref_squeeze %dma_start3A_126 : memref<1x512xi32, #tpu.memory_space<hbm>> -> memref<512xi32, #tpu.memory_space<hbm>>
    tpu.enqueue_dma source(%dma_start3A_127 : memref<512xi32, #tpu.memory_space<hbm>>) target(%dma_start3A_125 : memref<512xi32, #tpu.memory_space<vmem>>) target_semaphore(%arg10 : memref<!tpu.dma_semaphore, #tpu.memory_space<semaphore_mem>>)
    %dma_start3A_128 = arith.constant 14 : i32
    %dma_start3A_129 = arith.constant 7168 : i32
    %dma_start3A_130 = tpu.memref_slice %arg6[%dma_start3A_129] : memref<13312xi32, #tpu.memory_space<vmem>> -> memref<512xi32, #tpu.memory_space<vmem>>
    %dma_start3A_131 = tpu.memref_slice %arg2[%dma_start3A_128, %mul3A_2] : memref<26x16384xi32, #tpu.memory_space<hbm>> -> memref<1x512xi32, #tpu.memory_space<hbm>>
    %dma_start3A_132 = tpu.memref_squeeze %dma_start3A_131 : memref<1x512xi32, #tpu.memory_space<hbm>> -> memref<512xi32, #tpu.memory_space<hbm>>
    %dma_start3A_133 = arith.constant 7168 : i32
    %dma_start3A_134 = tpu.memref_slice %arg6[%dma_start3A_133] : memref<13312xi32, #tpu.memory_space<vmem>> -> memref<512xi32, #tpu.memory_space<vmem>>
    %dma_start3A_135 = tpu.memref_slice %arg2[%dma_start3A_128, %mul3A_2] : memref<26x16384xi32, #tpu.memory_space<hbm>> -> memref<1x512xi32, #tpu.memory_space<hbm>>
    %dma_start3A_136 = tpu.memref_squeeze %dma_start3A_135 : memref<1x512xi32, #tpu.memory_space<hbm>> -> memref<512xi32, #tpu.memory_space<hbm>>
    tpu.enqueue_dma source(%dma_start3A_136 : memref<512xi32, #tpu.memory_space<hbm>>) target(%dma_start3A_134 : memref<512xi32, #tpu.memory_space<vmem>>) target_semaphore(%arg10 : memref<!tpu.dma_semaphore, #tpu.memory_space<semaphore_mem>>)
    %dma_start3A_137 = arith.constant 15 : i32
    %dma_start3A_138 = arith.constant 7680 : i32
    %dma_start3A_139 = tpu.memref_slice %arg6[%dma_start3A_138] : memref<13312xi32, #tpu.memory_space<vmem>> -> memref<512xi32, #tpu.memory_space<vmem>>
    %dma_start3A_140 = tpu.memref_slice %arg2[%dma_start3A_137, %mul3A_2] : memref<26x16384xi32, #tpu.memory_space<hbm>> -> memref<1x512xi32, #tpu.memory_space<hbm>>
    %dma_start3A_141 = tpu.memref_squeeze %dma_start3A_140 : memref<1x512xi32, #tpu.memory_space<hbm>> -> memref<512xi32, #tpu.memory_space<hbm>>
    %dma_start3A_142 = arith.constant 7680 : i32
    %dma_start3A_143 = tpu.memref_slice %arg6[%dma_start3A_142] : memref<13312xi32, #tpu.memory_space<vmem>> -> memref<512xi32, #tpu.memory_space<vmem>>
    %dma_start3A_144 = tpu.memref_slice %arg2[%dma_start3A_137, %mul3A_2] : memref<26x16384xi32, #tpu.memory_space<hbm>> -> memref<1x512xi32, #tpu.memory_space<hbm>>
    %dma_start3A_145 = tpu.memref_squeeze %dma_start3A_144 : memref<1x512xi32, #tpu.memory_space<hbm>> -> memref<512xi32, #tpu.memory_space<hbm>>
    tpu.enqueue_dma source(%dma_start3A_145 : memref<512xi32, #tpu.memory_space<hbm>>) target(%dma_start3A_143 : memref<512xi32, #tpu.memory_space<vmem>>) target_semaphore(%arg10 : memref<!tpu.dma_semaphore, #tpu.memory_space<semaphore_mem>>)
    %dma_start3A_146 = arith.constant 16 : i32
    %dma_start3A_147 = arith.constant 8192 : i32
    %dma_start3A_148 = tpu.memref_slice %arg6[%dma_start3A_147] : memref<13312xi32, #tpu.memory_space<vmem>> -> memref<512xi32, #tpu.memory_space<vmem>>
    %dma_start3A_149 = tpu.memref_slice %arg2[%dma_start3A_146, %mul3A_2] : memref<26x16384xi32, #tpu.memory_space<hbm>> -> memref<1x512xi32, #tpu.memory_space<hbm>>
    %dma_start3A_150 = tpu.memref_squeeze %dma_start3A_149 : memref<1x512xi32, #tpu.memory_space<hbm>> -> memref<512xi32, #tpu.memory_space<hbm>>
    %dma_start3A_151 = arith.constant 8192 : i32
    %dma_start3A_152 = tpu.memref_slice %arg6[%dma_start3A_151] : memref<13312xi32, #tpu.memory_space<vmem>> -> memref<512xi32, #tpu.memory_space<vmem>>
    %dma_start3A_153 = tpu.memref_slice %arg2[%dma_start3A_146, %mul3A_2] : memref<26x16384xi32, #tpu.memory_space<hbm>> -> memref<1x512xi32, #tpu.memory_space<hbm>>
    %dma_start3A_154 = tpu.memref_squeeze %dma_start3A_153 : memref<1x512xi32, #tpu.memory_space<hbm>> -> memref<512xi32, #tpu.memory_space<hbm>>
    tpu.enqueue_dma source(%dma_start3A_154 : memref<512xi32, #tpu.memory_space<hbm>>) target(%dma_start3A_152 : memref<512xi32, #tpu.memory_space<vmem>>) target_semaphore(%arg10 : memref<!tpu.dma_semaphore, #tpu.memory_space<semaphore_mem>>)
    %dma_start3A_155 = arith.constant 17 : i32
    %dma_start3A_156 = arith.constant 8704 : i32
    %dma_start3A_157 = tpu.memref_slice %arg6[%dma_start3A_156] : memref<13312xi32, #tpu.memory_space<vmem>> -> memref<512xi32, #tpu.memory_space<vmem>>
    %dma_start3A_158 = tpu.memref_slice %arg2[%dma_start3A_155, %mul3A_2] : memref<26x16384xi32, #tpu.memory_space<hbm>> -> memref<1x512xi32, #tpu.memory_space<hbm>>
    %dma_start3A_159 = tpu.memref_squeeze %dma_start3A_158 : memref<1x512xi32, #tpu.memory_space<hbm>> -> memref<512xi32, #tpu.memory_space<hbm>>
    %dma_start3A_160 = arith.constant 8704 : i32
    %dma_start3A_161 = tpu.memref_slice %arg6[%dma_start3A_160] : memref<13312xi32, #tpu.memory_space<vmem>> -> memref<512xi32, #tpu.memory_space<vmem>>
    %dma_start3A_162 = tpu.memref_slice %arg2[%dma_start3A_155, %mul3A_2] : memref<26x16384xi32, #tpu.memory_space<hbm>> -> memref<1x512xi32, #tpu.memory_space<hbm>>
    %dma_start3A_163 = tpu.memref_squeeze %dma_start3A_162 : memref<1x512xi32, #tpu.memory_space<hbm>> -> memref<512xi32, #tpu.memory_space<hbm>>
    tpu.enqueue_dma source(%dma_start3A_163 : memref<512xi32, #tpu.memory_space<hbm>>) target(%dma_start3A_161 : memref<512xi32, #tpu.memory_space<vmem>>) target_semaphore(%arg10 : memref<!tpu.dma_semaphore, #tpu.memory_space<semaphore_mem>>)
    %dma_start3A_164 = arith.constant 18 : i32
    %dma_start3A_165 = arith.constant 9216 : i32
    %dma_start3A_166 = tpu.memref_slice %arg6[%dma_start3A_165] : memref<13312xi32, #tpu.memory_space<vmem>> -> memref<512xi32, #tpu.memory_space<vmem>>
    %dma_start3A_167 = tpu.memref_slice %arg2[%dma_start3A_164, %mul3A_2] : memref<26x16384xi32, #tpu.memory_space<hbm>> -> memref<1x512xi32, #tpu.memory_space<hbm>>
    %dma_start3A_168 = tpu.memref_squeeze %dma_start3A_167 : memref<1x512xi32, #tpu.memory_space<hbm>> -> memref<512xi32, #tpu.memory_space<hbm>>
    %dma_start3A_169 = arith.constant 9216 : i32
    %dma_start3A_170 = tpu.memref_slice %arg6[%dma_start3A_169] : memref<13312xi32, #tpu.memory_space<vmem>> -> memref<512xi32, #tpu.memory_space<vmem>>
    %dma_start3A_171 = tpu.memref_slice %arg2[%dma_start3A_164, %mul3A_2] : memref<26x16384xi32, #tpu.memory_space<hbm>> -> memref<1x512xi32, #tpu.memory_space<hbm>>
    %dma_start3A_172 = tpu.memref_squeeze %dma_start3A_171 : memref<1x512xi32, #tpu.memory_space<hbm>> -> memref<512xi32, #tpu.memory_space<hbm>>
    tpu.enqueue_dma source(%dma_start3A_172 : memref<512xi32, #tpu.memory_space<hbm>>) target(%dma_start3A_170 : memref<512xi32, #tpu.memory_space<vmem>>) target_semaphore(%arg10 : memref<!tpu.dma_semaphore, #tpu.memory_space<semaphore_mem>>)
    %dma_start3A_173 = arith.constant 19 : i32
    %dma_start3A_174 = arith.constant 9728 : i32
    %dma_start3A_175 = tpu.memref_slice %arg6[%dma_start3A_174] : memref<13312xi32, #tpu.memory_space<vmem>> -> memref<512xi32, #tpu.memory_space<vmem>>
    %dma_start3A_176 = tpu.memref_slice %arg2[%dma_start3A_173, %mul3A_2] : memref<26x16384xi32, #tpu.memory_space<hbm>> -> memref<1x512xi32, #tpu.memory_space<hbm>>
    %dma_start3A_177 = tpu.memref_squeeze %dma_start3A_176 : memref<1x512xi32, #tpu.memory_space<hbm>> -> memref<512xi32, #tpu.memory_space<hbm>>
    %dma_start3A_178 = arith.constant 9728 : i32
    %dma_start3A_179 = tpu.memref_slice %arg6[%dma_start3A_178] : memref<13312xi32, #tpu.memory_space<vmem>> -> memref<512xi32, #tpu.memory_space<vmem>>
    %dma_start3A_180 = tpu.memref_slice %arg2[%dma_start3A_173, %mul3A_2] : memref<26x16384xi32, #tpu.memory_space<hbm>> -> memref<1x512xi32, #tpu.memory_space<hbm>>
    %dma_start3A_181 = tpu.memref_squeeze %dma_start3A_180 : memref<1x512xi32, #tpu.memory_space<hbm>> -> memref<512xi32, #tpu.memory_space<hbm>>
    tpu.enqueue_dma source(%dma_start3A_181 : memref<512xi32, #tpu.memory_space<hbm>>) target(%dma_start3A_179 : memref<512xi32, #tpu.memory_space<vmem>>) target_semaphore(%arg10 : memref<!tpu.dma_semaphore, #tpu.memory_space<semaphore_mem>>)
    %dma_start3A_182 = arith.constant 20 : i32
    %dma_start3A_183 = arith.constant 10240 : i32
    %dma_start3A_184 = tpu.memref_slice %arg6[%dma_start3A_183] : memref<13312xi32, #tpu.memory_space<vmem>> -> memref<512xi32, #tpu.memory_space<vmem>>
    %dma_start3A_185 = tpu.memref_slice %arg2[%dma_start3A_182, %mul3A_2] : memref<26x16384xi32, #tpu.memory_space<hbm>> -> memref<1x512xi32, #tpu.memory_space<hbm>>
    %dma_start3A_186 = tpu.memref_squeeze %dma_start3A_185 : memref<1x512xi32, #tpu.memory_space<hbm>> -> memref<512xi32, #tpu.memory_space<hbm>>
    %dma_start3A_187 = arith.constant 10240 : i32
    %dma_start3A_188 = tpu.memref_slice %arg6[%dma_start3A_187] : memref<13312xi32, #tpu.memory_space<vmem>> -> memref<512xi32, #tpu.memory_space<vmem>>
    %dma_start3A_189 = tpu.memref_slice %arg2[%dma_start3A_182, %mul3A_2] : memref<26x16384xi32, #tpu.memory_space<hbm>> -> memref<1x512xi32, #tpu.memory_space<hbm>>
    %dma_start3A_190 = tpu.memref_squeeze %dma_start3A_189 : memref<1x512xi32, #tpu.memory_space<hbm>> -> memref<512xi32, #tpu.memory_space<hbm>>
    tpu.enqueue_dma source(%dma_start3A_190 : memref<512xi32, #tpu.memory_space<hbm>>) target(%dma_start3A_188 : memref<512xi32, #tpu.memory_space<vmem>>) target_semaphore(%arg10 : memref<!tpu.dma_semaphore, #tpu.memory_space<semaphore_mem>>)
    %dma_start3A_191 = arith.constant 21 : i32
    %dma_start3A_192 = arith.constant 10752 : i32
    %dma_start3A_193 = tpu.memref_slice %arg6[%dma_start3A_192] : memref<13312xi32, #tpu.memory_space<vmem>> -> memref<512xi32, #tpu.memory_space<vmem>>
    %dma_start3A_194 = tpu.memref_slice %arg2[%dma_start3A_191, %mul3A_2] : memref<26x16384xi32, #tpu.memory_space<hbm>> -> memref<1x512xi32, #tpu.memory_space<hbm>>
    %dma_start3A_195 = tpu.memref_squeeze %dma_start3A_194 : memref<1x512xi32, #tpu.memory_space<hbm>> -> memref<512xi32, #tpu.memory_space<hbm>>
    %dma_start3A_196 = arith.constant 10752 : i32
    %dma_start3A_197 = tpu.memref_slice %arg6[%dma_start3A_196] : memref<13312xi32, #tpu.memory_space<vmem>> -> memref<512xi32, #tpu.memory_space<vmem>>
    %dma_start3A_198 = tpu.memref_slice %arg2[%dma_start3A_191, %mul3A_2] : memref<26x16384xi32, #tpu.memory_space<hbm>> -> memref<1x512xi32, #tpu.memory_space<hbm>>
    %dma_start3A_199 = tpu.memref_squeeze %dma_start3A_198 : memref<1x512xi32, #tpu.memory_space<hbm>> -> memref<512xi32, #tpu.memory_space<hbm>>
    tpu.enqueue_dma source(%dma_start3A_199 : memref<512xi32, #tpu.memory_space<hbm>>) target(%dma_start3A_197 : memref<512xi32, #tpu.memory_space<vmem>>) target_semaphore(%arg10 : memref<!tpu.dma_semaphore, #tpu.memory_space<semaphore_mem>>)
    %dma_start3A_200 = arith.constant 22 : i32
    %dma_start3A_201 = arith.constant 11264 : i32
    %dma_start3A_202 = tpu.memref_slice %arg6[%dma_start3A_201] : memref<13312xi32, #tpu.memory_space<vmem>> -> memref<512xi32, #tpu.memory_space<vmem>>
    %dma_start3A_203 = tpu.memref_slice %arg2[%dma_start3A_200, %mul3A_2] : memref<26x16384xi32, #tpu.memory_space<hbm>> -> memref<1x512xi32, #tpu.memory_space<hbm>>
    %dma_start3A_204 = tpu.memref_squeeze %dma_start3A_203 : memref<1x512xi32, #tpu.memory_space<hbm>> -> memref<512xi32, #tpu.memory_space<hbm>>
    %dma_start3A_205 = arith.constant 11264 : i32
    %dma_start3A_206 = tpu.memref_slice %arg6[%dma_start3A_205] : memref<13312xi32, #tpu.memory_space<vmem>> -> memref<512xi32, #tpu.memory_space<vmem>>
    %dma_start3A_207 = tpu.memref_slice %arg2[%dma_start3A_200, %mul3A_2] : memref<26x16384xi32, #tpu.memory_space<hbm>> -> memref<1x512xi32, #tpu.memory_space<hbm>>
    %dma_start3A_208 = tpu.memref_squeeze %dma_start3A_207 : memref<1x512xi32, #tpu.memory_space<hbm>> -> memref<512xi32, #tpu.memory_space<hbm>>
    tpu.enqueue_dma source(%dma_start3A_208 : memref<512xi32, #tpu.memory_space<hbm>>) target(%dma_start3A_206 : memref<512xi32, #tpu.memory_space<vmem>>) target_semaphore(%arg10 : memref<!tpu.dma_semaphore, #tpu.memory_space<semaphore_mem>>)
    %dma_start3A_209 = arith.constant 23 : i32
    %dma_start3A_210 = arith.constant 11776 : i32
    %dma_start3A_211 = tpu.memref_slice %arg6[%dma_start3A_210] : memref<13312xi32, #tpu.memory_space<vmem>> -> memref<512xi32, #tpu.memory_space<vmem>>
    %dma_start3A_212 = tpu.memref_slice %arg2[%dma_start3A_209, %mul3A_2] : memref<26x16384xi32, #tpu.memory_space<hbm>> -> memref<1x512xi32, #tpu.memory_space<hbm>>
    %dma_start3A_213 = tpu.memref_squeeze %dma_start3A_212 : memref<1x512xi32, #tpu.memory_space<hbm>> -> memref<512xi32, #tpu.memory_space<hbm>>
    %dma_start3A_214 = arith.constant 11776 : i32
    %dma_start3A_215 = tpu.memref_slice %arg6[%dma_start3A_214] : memref<13312xi32, #tpu.memory_space<vmem>> -> memref<512xi32, #tpu.memory_space<vmem>>
    %dma_start3A_216 = tpu.memref_slice %arg2[%dma_start3A_209, %mul3A_2] : memref<26x16384xi32, #tpu.memory_space<hbm>> -> memref<1x512xi32, #tpu.memory_space<hbm>>
    %dma_start3A_217 = tpu.memref_squeeze %dma_start3A_216 : memref<1x512xi32, #tpu.memory_space<hbm>> -> memref<512xi32, #tpu.memory_space<hbm>>
    tpu.enqueue_dma source(%dma_start3A_217 : memref<512xi32, #tpu.memory_space<hbm>>) target(%dma_start3A_215 : memref<512xi32, #tpu.memory_space<vmem>>) target_semaphore(%arg10 : memref<!tpu.dma_semaphore, #tpu.memory_space<semaphore_mem>>)
    %dma_start3A_218 = arith.constant 24 : i32
    %dma_start3A_219 = arith.constant 12288 : i32
    %dma_start3A_220 = tpu.memref_slice %arg6[%dma_start3A_219] : memref<13312xi32, #tpu.memory_space<vmem>> -> memref<512xi32, #tpu.memory_space<vmem>>
    %dma_start3A_221 = tpu.memref_slice %arg2[%dma_start3A_218, %mul3A_2] : memref<26x16384xi32, #tpu.memory_space<hbm>> -> memref<1x512xi32, #tpu.memory_space<hbm>>
    %dma_start3A_222 = tpu.memref_squeeze %dma_start3A_221 : memref<1x512xi32, #tpu.memory_space<hbm>> -> memref<512xi32, #tpu.memory_space<hbm>>
    %dma_start3A_223 = arith.constant 12288 : i32
    %dma_start3A_224 = tpu.memref_slice %arg6[%dma_start3A_223] : memref<13312xi32, #tpu.memory_space<vmem>> -> memref<512xi32, #tpu.memory_space<vmem>>
    %dma_start3A_225 = tpu.memref_slice %arg2[%dma_start3A_218, %mul3A_2] : memref<26x16384xi32, #tpu.memory_space<hbm>> -> memref<1x512xi32, #tpu.memory_space<hbm>>
    %dma_start3A_226 = tpu.memref_squeeze %dma_start3A_225 : memref<1x512xi32, #tpu.memory_space<hbm>> -> memref<512xi32, #tpu.memory_space<hbm>>
    tpu.enqueue_dma source(%dma_start3A_226 : memref<512xi32, #tpu.memory_space<hbm>>) target(%dma_start3A_224 : memref<512xi32, #tpu.memory_space<vmem>>) target_semaphore(%arg10 : memref<!tpu.dma_semaphore, #tpu.memory_space<semaphore_mem>>)
    %dma_start3A_227 = arith.constant 25 : i32
    %dma_start3A_228 = arith.constant 12800 : i32
    %dma_start3A_229 = tpu.memref_slice %arg6[%dma_start3A_228] : memref<13312xi32, #tpu.memory_space<vmem>> -> memref<512xi32, #tpu.memory_space<vmem>>
    %dma_start3A_230 = tpu.memref_slice %arg2[%dma_start3A_227, %mul3A_2] : memref<26x16384xi32, #tpu.memory_space<hbm>> -> memref<1x512xi32, #tpu.memory_space<hbm>>
    %dma_start3A_231 = tpu.memref_squeeze %dma_start3A_230 : memref<1x512xi32, #tpu.memory_space<hbm>> -> memref<512xi32, #tpu.memory_space<hbm>>
    %dma_start3A_232 = arith.constant 12800 : i32
    %dma_start3A_233 = tpu.memref_slice %arg6[%dma_start3A_232] : memref<13312xi32, #tpu.memory_space<vmem>> -> memref<512xi32, #tpu.memory_space<vmem>>
    %dma_start3A_234 = tpu.memref_slice %arg2[%dma_start3A_227, %mul3A_2] : memref<26x16384xi32, #tpu.memory_space<hbm>> -> memref<1x512xi32, #tpu.memory_space<hbm>>
    %dma_start3A_235 = tpu.memref_squeeze %dma_start3A_234 : memref<1x512xi32, #tpu.memory_space<hbm>> -> memref<512xi32, #tpu.memory_space<hbm>>
    tpu.enqueue_dma source(%dma_start3A_235 : memref<512xi32, #tpu.memory_space<hbm>>) target(%dma_start3A_233 : memref<512xi32, #tpu.memory_space<vmem>>) target_semaphore(%arg10 : memref<!tpu.dma_semaphore, #tpu.memory_space<semaphore_mem>>)
    "tpu.region"() ({
      %run_scoped3A = tpu.sem_alloc : memref<!tpu.dma_semaphore, #tpu.memory_space<semaphore_mem>>
      %dma_start3A_259 = arith.constant 0 : i32
      %dma_start3A_260 = tpu.memref_slice %arg9[%dma_start3A_259] : memref<16xf32, #tpu.memory_space<vmem>> -> memref<1xf32, #tpu.memory_space<vmem>>
      %dma_start3A_261 = arith.constant 0 : i32
      %dma_start3A_262 = tpu.memref_slice %arg9[%dma_start3A_261] : memref<16xf32, #tpu.memory_space<vmem>> -> memref<1xf32, #tpu.memory_space<vmem>>
      tpu.enqueue_dma source(%arg4 : memref<1xf32, #tpu.memory_space<hbm>>) target(%dma_start3A_262 : memref<1xf32, #tpu.memory_space<vmem>>) target_semaphore(%run_scoped3A : memref<!tpu.dma_semaphore, #tpu.memory_space<semaphore_mem>>)
      %dma_wait3A_263 = arith.constant 0 : i32
      %dma_wait3A_264 = tpu.memref_slice %arg9[%dma_wait3A_263] : memref<16xf32, #tpu.memory_space<vmem>> -> memref<1xf32, #tpu.memory_space<vmem>>
      %dma_wait3A_265 = arith.constant 0 : i32
      %dma_wait3A_266 = tpu.memref_slice %arg9[%dma_wait3A_265] : memref<16xf32, #tpu.memory_space<vmem>> -> memref<1xf32, #tpu.memory_space<vmem>>
      tpu.wait_dma2 semaphore(%run_scoped3A : memref<!tpu.dma_semaphore, #tpu.memory_space<semaphore_mem>>) src(%arg4 : memref<1xf32, #tpu.memory_space<hbm>>) dst(%dma_wait3A_266 : memref<1xf32, #tpu.memory_space<vmem>>)
      tpu.yield
    }) : () -> ()
    %dma_wait3A = arith.constant 0 : i32
    %dma_wait3A_236 = arith.constant 0 : i32
    %dma_wait3A_237 = tpu.memref_slice %arg2[%dma_wait3A, %dma_wait3A_236] : memref<26x16384xi32, #tpu.memory_space<hbm>> -> memref<1x13312xi32, #tpu.memory_space<hbm>>
    %dma_wait3A_238 = tpu.memref_squeeze %dma_wait3A_237 : memref<1x13312xi32, #tpu.memory_space<hbm>> -> memref<13312xi32, #tpu.memory_space<hbm>>
    %dma_wait3A_239 = arith.constant 0 : i32
    %dma_wait3A_240 = tpu.memref_slice %arg2[%dma_wait3A, %dma_wait3A_239] : memref<26x16384xi32, #tpu.memory_space<hbm>> -> memref<1x13312xi32, #tpu.memory_space<hbm>>
    %dma_wait3A_241 = tpu.memref_squeeze %dma_wait3A_240 : memref<1x13312xi32, #tpu.memory_space<hbm>> -> memref<13312xi32, #tpu.memory_space<hbm>>
    tpu.wait_dma2 semaphore(%arg10 : memref<!tpu.dma_semaphore, #tpu.memory_space<semaphore_mem>>) src(%dma_wait3A_241 : memref<13312xi32, #tpu.memory_space<hbm>>) dst(%arg6 : memref<13312xi32, #tpu.memory_space<vmem>>)
    %scan3A = arith.constant 0 : i32
    %scan3A_242 = arith.constant 0 : i32
    %scan3A_243 = arith.constant 13 : i32
    %scan3A_244 = arith.addi %scan3A_242, %scan3A_243 : i32
    %scan3A_245 = arith.constant 1 : i32
    scf.for %scan3A_259 = %scan3A_242 to %scan3A_244 step %scan3A_245  : i32 {
      %mul3A_260 = arith.constant 1024 : i32
      %mul3A_261 = arith.muli %scan3A_259, %mul3A_260 : i32
      %dma_start3A_262 = tpu.memref_slice %arg7[%mul3A_261] : memref<13312xf32, #tpu.memory_space<vmem>> -> memref<1024xf32, #tpu.memory_space<vmem>>
      %dma_start3A_263 = tpu.memref_slice %arg6[%mul3A_261] : memref<13312xi32, #tpu.memory_space<vmem>> -> memref<1024xi32, #tpu.memory_space<vmem>>
      %dma_start3A_264 = arith.constant 0 : i32
      %dma_start3A_265 = tpu.memref_slice %arg3[%dma_start3A_264] : memref<1000000xf32, #tpu.memory_space<hbm>> -> memref<1000000xf32, #tpu.memory_space<hbm>>
      tpu.enqueue_indirect_dma source(%dma_start3A_265 : memref<1000000xf32, #tpu.memory_space<hbm>>) target(%dma_start3A_262 : memref<1024xf32, #tpu.memory_space<vmem>>) offsets(%dma_start3A_263 : memref<1024xi32, #tpu.memory_space<vmem>>) semaphore(%arg10 : memref<!tpu.dma_semaphore, #tpu.memory_space<semaphore_mem>>)
    }
    %scan3A_246 = arith.constant 13 : i32
    %dma_wait3A_247 = arith.constant 0 : i32
    %dma_wait3A_248 = tpu.memref_slice %arg3[%dma_wait3A_247] : memref<1000000xf32, #tpu.memory_space<hbm>> -> memref<13312xf32, #tpu.memory_space<hbm>>
    %dma_wait3A_249 = arith.constant 0 : i32
    %dma_wait3A_250 = tpu.memref_slice %arg3[%dma_wait3A_249] : memref<1000000xf32, #tpu.memory_space<hbm>> -> memref<13312xf32, #tpu.memory_space<hbm>>
    tpu.wait_dma2 semaphore(%arg10 : memref<!tpu.dma_semaphore, #tpu.memory_space<semaphore_mem>>) src(%dma_wait3A_250 : memref<13312xf32, #tpu.memory_space<hbm>>) dst(%arg7 : memref<13312xf32, #tpu.memory_space<vmem>>)
    %get3A = arith.constant 0 : index
    %get3A_251 = tpu.vector_load %arg9[%get3A] {strides = array<i32>} : memref<16xf32, #tpu.memory_space<vmem>>, vector<16xf32>,
    %get3A_252 = vector.shape_cast %get3A_251 : vector<16xf32> to vector<16xf32>
    %slice3A = vector.extract_strided_slice %get3A_252 {offsets = [0], sizes = [1], strides = [1]} : vector<16xf32> to vector<1xf32>
    %squeeze3A = vector.extract %slice3A[0] : f32 from vector<1xf32>
    %scan3A_253 = arith.constant 0 : i32
    %scan3A_254 = arith.constant 0 : i32
    %scan3A_255 = arith.constant 32 : i32
    %scan3A_256 = arith.addi %scan3A_254, %scan3A_255 : i32
    %scan3A_257 = arith.constant 1 : i32
    scf.for %scan3A_259 = %scan3A_254 to %scan3A_256 step %scan3A_257  : i32 {
      %mul3A_260 = arith.constant 16 : i32
      %mul3A_261 = arith.muli %scan3A_259, %mul3A_260 : i32
      %broadcast_in_dim3A = arith.constant 0.000000e+00 : f32
      %broadcast_in_dim3A_262 = vector.broadcast %broadcast_in_dim3A : f32 to vector<16xf32>
      %add3A_263 = vector.broadcast %squeeze3A : f32 to vector<16xf32>
      %add3A_264 = arith.addf %broadcast_in_dim3A_262, %add3A_263 : vector<16xf32>
      %add3A_265 = arith.constant 0 : i32
      %add3A_266 = arith.addi %add3A_265, %mul3A_261 : i32
      %get3A_267 = arith.index_cast %add3A_266 : i32 to index
      %get3A_268 = tpu.vector_load %arg7[%get3A_267] {strides = array<i32>} : memref<13312xf32, #tpu.memory_space<vmem>>, vector<16xf32>,
      %get3A_269 = vector.shape_cast %get3A_268 : vector<16xf32> to vector<16xf32>
      %add3A_270 = arith.addf %add3A_264, %get3A_269 : vector<16xf32>
      %add3A_271 = arith.constant 512 : i32
      %add3A_272 = arith.addi %add3A_271, %mul3A_261 : i32
      %get3A_273 = arith.index_cast %add3A_272 : i32 to index
      %get3A_274 = tpu.vector_load %arg7[%get3A_273] {strides = array<i32>} : memref<13312xf32, #tpu.memory_space<vmem>>, vector<16xf32>,
      %get3A_275 = vector.shape_cast %get3A_274 : vector<16xf32> to vector<16xf32>
      %add3A_276 = arith.addf %add3A_270, %get3A_275 : vector<16xf32>
      %add3A_277 = arith.constant 1024 : i32
      %add3A_278 = arith.addi %add3A_277, %mul3A_261 : i32
      %get3A_279 = arith.index_cast %add3A_278 : i32 to index
      %get3A_280 = tpu.vector_load %arg7[%get3A_279] {strides = array<i32>} : memref<13312xf32, #tpu.memory_space<vmem>>, vector<16xf32>,
      %get3A_281 = vector.shape_cast %get3A_280 : vector<16xf32> to vector<16xf32>
      %add3A_282 = arith.addf %add3A_276, %get3A_281 : vector<16xf32>
      %add3A_283 = arith.constant 1536 : i32
      %add3A_284 = arith.addi %add3A_283, %mul3A_261 : i32
      %get3A_285 = arith.index_cast %add3A_284 : i32 to index
      %get3A_286 = tpu.vector_load %arg7[%get3A_285] {strides = array<i32>} : memref<13312xf32, #tpu.memory_space<vmem>>, vector<16xf32>,
      %get3A_287 = vector.shape_cast %get3A_286 : vector<16xf32> to vector<16xf32>
      %add3A_288 = arith.addf %add3A_282, %get3A_287 : vector<16xf32>
      %add3A_289 = arith.constant 2048 : i32
      %add3A_290 = arith.addi %add3A_289, %mul3A_261 : i32
      %get3A_291 = arith.index_cast %add3A_290 : i32 to index
      %get3A_292 = tpu.vector_load %arg7[%get3A_291] {strides = array<i32>} : memref<13312xf32, #tpu.memory_space<vmem>>, vector<16xf32>,
      %get3A_293 = vector.shape_cast %get3A_292 : vector<16xf32> to vector<16xf32>
      %add3A_294 = arith.addf %add3A_288, %get3A_293 : vector<16xf32>
      %add3A_295 = arith.constant 2560 : i32
      %add3A_296 = arith.addi %add3A_295, %mul3A_261 : i32
      %get3A_297 = arith.index_cast %add3A_296 : i32 to index
      %get3A_298 = tpu.vector_load %arg7[%get3A_297] {strides = array<i32>} : memref<13312xf32, #tpu.memory_space<vmem>>, vector<16xf32>,
      %get3A_299 = vector.shape_cast %get3A_298 : vector<16xf32> to vector<16xf32>
      %add3A_300 = arith.addf %add3A_294, %get3A_299 : vector<16xf32>
      %add3A_301 = arith.constant 3072 : i32
      %add3A_302 = arith.addi %add3A_301, %mul3A_261 : i32
      %get3A_303 = arith.index_cast %add3A_302 : i32 to index
      %get3A_304 = tpu.vector_load %arg7[%get3A_303] {strides = array<i32>} : memref<13312xf32, #tpu.memory_space<vmem>>, vector<16xf32>,
      %get3A_305 = vector.shape_cast %get3A_304 : vector<16xf32> to vector<16xf32>
      %add3A_306 = arith.addf %add3A_300, %get3A_305 : vector<16xf32>
      %add3A_307 = arith.constant 3584 : i32
      %add3A_308 = arith.addi %add3A_307, %mul3A_261 : i32
      %get3A_309 = arith.index_cast %add3A_308 : i32 to index
      %get3A_310 = tpu.vector_load %arg7[%get3A_309] {strides = array<i32>} : memref<13312xf32, #tpu.memory_space<vmem>>, vector<16xf32>,
      %get3A_311 = vector.shape_cast %get3A_310 : vector<16xf32> to vector<16xf32>
      %add3A_312 = arith.addf %add3A_306, %get3A_311 : vector<16xf32>
      %add3A_313 = arith.constant 4096 : i32
      %add3A_314 = arith.addi %add3A_313, %mul3A_261 : i32
      %get3A_315 = arith.index_cast %add3A_314 : i32 to index
      %get3A_316 = tpu.vector_load %arg7[%get3A_315] {strides = array<i32>} : memref<13312xf32, #tpu.memory_space<vmem>>, vector<16xf32>,
      %get3A_317 = vector.shape_cast %get3A_316 : vector<16xf32> to vector<16xf32>
      %add3A_318 = arith.addf %add3A_312, %get3A_317 : vector<16xf32>
      %add3A_319 = arith.constant 4608 : i32
      %add3A_320 = arith.addi %add3A_319, %mul3A_261 : i32
      %get3A_321 = arith.index_cast %add3A_320 : i32 to index
      %get3A_322 = tpu.vector_load %arg7[%get3A_321] {strides = array<i32>} : memref<13312xf32, #tpu.memory_space<vmem>>, vector<16xf32>,
      %get3A_323 = vector.shape_cast %get3A_322 : vector<16xf32> to vector<16xf32>
      %add3A_324 = arith.addf %add3A_318, %get3A_323 : vector<16xf32>
      %add3A_325 = arith.constant 5120 : i32
      %add3A_326 = arith.addi %add3A_325, %mul3A_261 : i32
      %get3A_327 = arith.index_cast %add3A_326 : i32 to index
      %get3A_328 = tpu.vector_load %arg7[%get3A_327] {strides = array<i32>} : memref<13312xf32, #tpu.memory_space<vmem>>, vector<16xf32>,
      %get3A_329 = vector.shape_cast %get3A_328 : vector<16xf32> to vector<16xf32>
      %add3A_330 = arith.addf %add3A_324, %get3A_329 : vector<16xf32>
      %add3A_331 = arith.constant 5632 : i32
      %add3A_332 = arith.addi %add3A_331, %mul3A_261 : i32
      %get3A_333 = arith.index_cast %add3A_332 : i32 to index
      %get3A_334 = tpu.vector_load %arg7[%get3A_333] {strides = array<i32>} : memref<13312xf32, #tpu.memory_space<vmem>>, vector<16xf32>,
      %get3A_335 = vector.shape_cast %get3A_334 : vector<16xf32> to vector<16xf32>
      %add3A_336 = arith.addf %add3A_330, %get3A_335 : vector<16xf32>
      %add3A_337 = arith.constant 6144 : i32
      %add3A_338 = arith.addi %add3A_337, %mul3A_261 : i32
      %get3A_339 = arith.index_cast %add3A_338 : i32 to index
      %get3A_340 = tpu.vector_load %arg7[%get3A_339] {strides = array<i32>} : memref<13312xf32, #tpu.memory_space<vmem>>, vector<16xf32>,
      %get3A_341 = vector.shape_cast %get3A_340 : vector<16xf32> to vector<16xf32>
      %add3A_342 = arith.addf %add3A_336, %get3A_341 : vector<16xf32>
      %add3A_343 = arith.constant 6656 : i32
      %add3A_344 = arith.addi %add3A_343, %mul3A_261 : i32
      %get3A_345 = arith.index_cast %add3A_344 : i32 to index
      %get3A_346 = tpu.vector_load %arg7[%get3A_345] {strides = array<i32>} : memref<13312xf32, #tpu.memory_space<vmem>>, vector<16xf32>,
      %get3A_347 = vector.shape_cast %get3A_346 : vector<16xf32> to vector<16xf32>
      %add3A_348 = arith.addf %add3A_342, %get3A_347 : vector<16xf32>
      %add3A_349 = arith.constant 7168 : i32
      %add3A_350 = arith.addi %add3A_349, %mul3A_261 : i32
      %get3A_351 = arith.index_cast %add3A_350 : i32 to index
      %get3A_352 = tpu.vector_load %arg7[%get3A_351] {strides = array<i32>} : memref<13312xf32, #tpu.memory_space<vmem>>, vector<16xf32>,
      %get3A_353 = vector.shape_cast %get3A_352 : vector<16xf32> to vector<16xf32>
      %add3A_354 = arith.addf %add3A_348, %get3A_353 : vector<16xf32>
      %add3A_355 = arith.constant 7680 : i32
      %add3A_356 = arith.addi %add3A_355, %mul3A_261 : i32
      %get3A_357 = arith.index_cast %add3A_356 : i32 to index
      %get3A_358 = tpu.vector_load %arg7[%get3A_357] {strides = array<i32>} : memref<13312xf32, #tpu.memory_space<vmem>>, vector<16xf32>,
      %get3A_359 = vector.shape_cast %get3A_358 : vector<16xf32> to vector<16xf32>
      %add3A_360 = arith.addf %add3A_354, %get3A_359 : vector<16xf32>
      %add3A_361 = arith.constant 8192 : i32
      %add3A_362 = arith.addi %add3A_361, %mul3A_261 : i32
      %get3A_363 = arith.index_cast %add3A_362 : i32 to index
      %get3A_364 = tpu.vector_load %arg7[%get3A_363] {strides = array<i32>} : memref<13312xf32, #tpu.memory_space<vmem>>, vector<16xf32>,
      %get3A_365 = vector.shape_cast %get3A_364 : vector<16xf32> to vector<16xf32>
      %add3A_366 = arith.addf %add3A_360, %get3A_365 : vector<16xf32>
      %add3A_367 = arith.constant 8704 : i32
      %add3A_368 = arith.addi %add3A_367, %mul3A_261 : i32
      %get3A_369 = arith.index_cast %add3A_368 : i32 to index
      %get3A_370 = tpu.vector_load %arg7[%get3A_369] {strides = array<i32>} : memref<13312xf32, #tpu.memory_space<vmem>>, vector<16xf32>,
      %get3A_371 = vector.shape_cast %get3A_370 : vector<16xf32> to vector<16xf32>
      %add3A_372 = arith.addf %add3A_366, %get3A_371 : vector<16xf32>
      %add3A_373 = arith.constant 9216 : i32
      %add3A_374 = arith.addi %add3A_373, %mul3A_261 : i32
      %get3A_375 = arith.index_cast %add3A_374 : i32 to index
      %get3A_376 = tpu.vector_load %arg7[%get3A_375] {strides = array<i32>} : memref<13312xf32, #tpu.memory_space<vmem>>, vector<16xf32>,
      %get3A_377 = vector.shape_cast %get3A_376 : vector<16xf32> to vector<16xf32>
      %add3A_378 = arith.addf %add3A_372, %get3A_377 : vector<16xf32>
      %add3A_379 = arith.constant 9728 : i32
      %add3A_380 = arith.addi %add3A_379, %mul3A_261 : i32
      %get3A_381 = arith.index_cast %add3A_380 : i32 to index
      %get3A_382 = tpu.vector_load %arg7[%get3A_381] {strides = array<i32>} : memref<13312xf32, #tpu.memory_space<vmem>>, vector<16xf32>,
      %get3A_383 = vector.shape_cast %get3A_382 : vector<16xf32> to vector<16xf32>
      %add3A_384 = arith.addf %add3A_378, %get3A_383 : vector<16xf32>
      %add3A_385 = arith.constant 10240 : i32
      %add3A_386 = arith.addi %add3A_385, %mul3A_261 : i32
      %get3A_387 = arith.index_cast %add3A_386 : i32 to index
      %get3A_388 = tpu.vector_load %arg7[%get3A_387] {strides = array<i32>} : memref<13312xf32, #tpu.memory_space<vmem>>, vector<16xf32>,
      %get3A_389 = vector.shape_cast %get3A_388 : vector<16xf32> to vector<16xf32>
      %add3A_390 = arith.addf %add3A_384, %get3A_389 : vector<16xf32>
      %add3A_391 = arith.constant 10752 : i32
      %add3A_392 = arith.addi %add3A_391, %mul3A_261 : i32
      %get3A_393 = arith.index_cast %add3A_392 : i32 to index
      %get3A_394 = tpu.vector_load %arg7[%get3A_393] {strides = array<i32>} : memref<13312xf32, #tpu.memory_space<vmem>>, vector<16xf32>,
      %get3A_395 = vector.shape_cast %get3A_394 : vector<16xf32> to vector<16xf32>
      %add3A_396 = arith.addf %add3A_390, %get3A_395 : vector<16xf32>
      %add3A_397 = arith.constant 11264 : i32
      %add3A_398 = arith.addi %add3A_397, %mul3A_261 : i32
      %get3A_399 = arith.index_cast %add3A_398 : i32 to index
      %get3A_400 = tpu.vector_load %arg7[%get3A_399] {strides = array<i32>} : memref<13312xf32, #tpu.memory_space<vmem>>, vector<16xf32>,
      %get3A_401 = vector.shape_cast %get3A_400 : vector<16xf32> to vector<16xf32>
      %add3A_402 = arith.addf %add3A_396, %get3A_401 : vector<16xf32>
      %add3A_403 = arith.constant 11776 : i32
      %add3A_404 = arith.addi %add3A_403, %mul3A_261 : i32
      %get3A_405 = arith.index_cast %add3A_404 : i32 to index
      %get3A_406 = tpu.vector_load %arg7[%get3A_405] {strides = array<i32>} : memref<13312xf32, #tpu.memory_space<vmem>>, vector<16xf32>,
      %get3A_407 = vector.shape_cast %get3A_406 : vector<16xf32> to vector<16xf32>
      %add3A_408 = arith.addf %add3A_402, %get3A_407 : vector<16xf32>
      %add3A_409 = arith.constant 12288 : i32
      %add3A_410 = arith.addi %add3A_409, %mul3A_261 : i32
      %get3A_411 = arith.index_cast %add3A_410 : i32 to index
      %get3A_412 = tpu.vector_load %arg7[%get3A_411] {strides = array<i32>} : memref<13312xf32, #tpu.memory_space<vmem>>, vector<16xf32>,
      %get3A_413 = vector.shape_cast %get3A_412 : vector<16xf32> to vector<16xf32>
      %add3A_414 = arith.addf %add3A_408, %get3A_413 : vector<16xf32>
      %add3A_415 = arith.constant 12800 : i32
      %add3A_416 = arith.addi %add3A_415, %mul3A_261 : i32
      %get3A_417 = arith.index_cast %add3A_416 : i32 to index
      %get3A_418 = tpu.vector_load %arg7[%get3A_417] {strides = array<i32>} : memref<13312xf32, #tpu.memory_space<vmem>>, vector<16xf32>,
      %get3A_419 = vector.shape_cast %get3A_418 : vector<16xf32> to vector<16xf32>
      %add3A_420 = arith.addf %add3A_414, %get3A_419 : vector<16xf32>
      %swap3A = arith.index_cast %mul3A_261 : i32 to index
      %swap3A_421 = tpu.vector_load %arg8[%swap3A] {strides = array<i32>} : memref<512xf32, #tpu.memory_space<vmem>>, vector<16xf32>,
      %swap3A_422 = vector.shape_cast %swap3A_421 : vector<16xf32> to vector<16xf32>
      %swap3A_423 = vector.shape_cast %add3A_420 : vector<16xf32> to vector<16xf32>
      tpu.vector_store %arg8[%swap3A], %swap3A_423 {strides = array<i32>} : memref<512xf32, #tpu.memory_space<vmem>>, vector<16xf32>,
    }
    %scan3A_258 = arith.constant 32 : i32
    "tpu.region"() ({
      %run_scoped3A = tpu.sem_alloc : memref<!tpu.dma_semaphore, #tpu.memory_space<semaphore_mem>>
      %dma_start3A_259 = tpu.memref_slice %arg5[%mul3A_2] : memref<16384xf32, #tpu.memory_space<hbm>> -> memref<512xf32, #tpu.memory_space<hbm>>
      %dma_start3A_260 = tpu.memref_slice %arg5[%mul3A_2] : memref<16384xf32, #tpu.memory_space<hbm>> -> memref<512xf32, #tpu.memory_space<hbm>>
      tpu.enqueue_dma source(%arg8 : memref<512xf32, #tpu.memory_space<vmem>>) target(%dma_start3A_260 : memref<512xf32, #tpu.memory_space<hbm>>) target_semaphore(%run_scoped3A : memref<!tpu.dma_semaphore, #tpu.memory_space<semaphore_mem>>)
      %dma_wait3A_261 = tpu.memref_slice %arg5[%mul3A_2] : memref<16384xf32, #tpu.memory_space<hbm>> -> memref<512xf32, #tpu.memory_space<hbm>>
      %dma_wait3A_262 = tpu.memref_slice %arg5[%mul3A_2] : memref<16384xf32, #tpu.memory_space<hbm>> -> memref<512xf32, #tpu.memory_space<hbm>>
      tpu.wait_dma2 semaphore(%run_scoped3A : memref<!tpu.dma_semaphore, #tpu.memory_space<semaphore_mem>>) src(%arg8 : memref<512xf32, #tpu.memory_space<vmem>>) dst(%dma_wait3A_262 : memref<512xf32, #tpu.memory_space<hbm>>)
      tpu.yield
    }) : () -> ()
    return
  }
}

</mosaic_0001>

<sc_bundles>
// kernel: kernel.3.cloned.1.call-start
scs
__scs_entry_jumppad:
0x0: {  	(pc) =	sbr.rel $0x88, $3  }
0x1: {  	(tag) =	ssettag $0x0;
	lr =	simm.s32 $0x1  }
0x2: {  	[smem:$0x3F9E] =	sst lr;
	_ =	strace $0xD0000000  }
0x3: {  	_ = 	snop  }
0x4: {  	_ = 	snop  }
0x5: {  	_ = 	snop  }
0x6: {  	_ = 	snop  }
0x7: {  	_ = 	snop  }
__scs_overlays_trampoline_lowered:
0x8: {  	[smem:$0x3FAD] =	sst s0  }
0x9: {  	[smem:$0x3FAE] =	sst s1  }
0xa: {  	[smem:$0x3FAF] =	sst s2  }
0xb: {  	[smem:$0x3FB0] =	sst s3  }
0xc: {  	[smem:$0x3FB1] =	sst s4  }
0xd: {  	[smem:$0x3FB2] =	sst s5  }
0xe: {  	[smem:$0x3FB3] =	sst s6  }
0xf: {  	[smem:$0x3FB4] =	sst s7  }
0x10: {  	[smem:$0x3FB5] =	sst s8  }
0x11: {  	[smem:$0x3FB6] =	sst s9;
	s0 =	simm.s32 @!p0 $0x0  }
0x12: {  	s1 =	sld [smem:$0x3F9C];
	s0 =	simm.s32 @p0 $0x1  }
0x13: {  	[smem:$0x3FB7] =	sst s0;
	s0 =	simm.s32 @!p1 $0x0  }
0x14: {  	s2 =	sld [smem:$0x3F9B];
	s0 =	simm.s32 @p1 $0x1  }
0x15: {  	[smem:$0x3FB8] =	sst s0;
	s0 =	simm.s32 @!p2 $0x0  }
0x16: {  	s3 =	sld [smem:$0x3FDB];
	s0 =	simm.s32 @p2 $0x1  }
0x17: {  	s4 =	simm.s32 $0x1BF5;
	[smem:$0x3FBA] =	sst s0  }
0x18: {  	s0 =	sld [smem:$0x3F9D];
	_ =	swait.ge [sflag:s4], $0x0  }
0x19: {  	s7 =	sld [smem:$0x3F9E]  }
0x1a: {  	s8 =	sadd.s32 $0xFFFFE003, lr  }
0x1b: {  	s9 =	sadd.s32 $0xFFFFFEF7, lr;
	s5 =	simm.s32 $0xFFFFFFFF;
	p2 =	slt.u32 s8, $0xFFFFF086  }
0x1c: {  	p1 =	slt.u32 s9, $0xF7A;
	s5 =	simm.s32 @!p2 $0x0  }
0x1d: {  	s5 =	simm.s32 @p1 $0x1;
	p0 =	seq.s32 s7, s2  }
0x1e: {  	s7 =	smul.u32 @!p0 $0xF7A, s2;
	p2 =	seq.s32 @!p0 s5, $0x0  }
0x1f: {  	s9 =	smul.u32 $0xF7A, s1;
	s8 =	simm.s32 @!p0 $0x1BF5;
	p2 =	por !p2, p0  }
0x20: {  	[sflag:s8] =	ssyncset.s32 @!p0 $0xFFFFF086;
	s6 =	sadd.s32 @!p0 s3, s7;
	s7 =	simm.s32 @!p0 $0x108  }
0x21: {  	s3 =	sadd.s32 s3, s9;
	s6 =	sadd.s32 @!p0 $0x88, s6;
	s7 =	simm.s32 @p2 $0x1082  }
0x22: {  	[simem:s7], [sflag:s8] =	dma.local @!p0 [hbm:s6], $0xF7A  }
0x23: {  	s9 =	sor.u32 $0xD0000000, s2;
	s6 =	simm.s32 $0x108;
	_ =	swait.ge @!p0 [sflag:s8], $0x0  }
0x24: {  	s3 =	sadd.s32 $0x88, s3;
	s6 =	simm.s32 @!p1 $0x1082;
	[sflag:s4] =	ssyncset.s32 $0xFFFFF086  }
0x25: {  	[simem:s6], [sflag:s4] =	dma.local [hbm:s3], $0xF7A  }
0x26: {  	[smem:$0x3F9E] =	sst s1;
	(tag) =	ssettag s2;
	_ =	strace s9  }
0x27: {  	s1 =	sld [smem:$0x3FAE]  }
0x28: {  	s2 =	sld [smem:$0x3FAF]  }
0x29: {  	s4 =	sld [smem:$0x3FB1]  }
0x2a: {  	p0 =	seq.s32 s5, $0x0;
	s5 =	sld [smem:$0x3FB2]  }
0x2b: {  	s6 =	sld [smem:$0x3FB3]  }
0x2c: {  	s7 =	sld [smem:$0x3FB4]  }
0x2d: {  	s3 =	simm.s32 $0x108;
	s8 =	sld [smem:$0x3FB5]  }
0x2e: {  	s3 =	simm.s32 @!p0 $0x1082;
	s9 =	sld [smem:$0x3FB6]  }
0x2f: {  	lr =	sadd.s32 s0, s3;
	s0 =	sld [smem:$0x3FAD]  }
0x30: {  	s3 =	sld [smem:$0x3FB0]  }
0x31: {  	[smem:$0x3FB9] =	sst s10  }
0x32: {  	s10 =	sld [smem:$0x3FB7];
	_ =	sdelay $0x3  }
0x33: {  	p0 =	seq.s32 s10, $0x1;
	s10 =	sld [smem:$0x3FB9];
	_ =	sdelay $0x3  }
0x34: {  	[smem:$0x3FB9] =	sst s10  }
0x35: {  	s10 =	sld [smem:$0x3FB8];
	_ =	sdelay $0x3  }
0x36: {  	p1 =	seq.s32 s10, $0x1;
	s10 =	sld [smem:$0x3FB9];
	_ =	sdelay $0x3  }
0x37: {  	[smem:$0x3FB9] =	sst s10  }
0x38: {  	s10 =	sld [smem:$0x3FBA]  }
0x39: {  	_ = 	snop;
	(pc) =	sbr.ind lr, $3  }
0x3a: {  	_ = 	snop  }
0x3b: {  	_ = 	snop  }
0x3c: {  	p2 =	seq.s32 s10, $0x1;
	s10 =	sld [smem:$0x3FB9]  }
0x3d: {  	_ =	shalt  }
0x3e: {  	_ =	shalt  }
0x3f: {  	_ =	shalt  }
0x40: {  	_ =	shalt  }
0x41: {  	_ =	shalt  }
0x42: {  	_ =	shalt  }
0x43: {  	_ =	shalt  }
0x44: {  	_ =	shalt  }
0x45: {  	_ =	shalt  }
0x46: {  	_ =	shalt  }
0x47: {  	_ =	shalt  }
0x48: {  	_ =	shalt  }
0x49: {  	_ =	shalt  }
0x4a: {  	_ =	shalt  }
0x4b: {  	_ =	shalt  }
0x4c: {  	_ =	shalt  }
0x4d: {  	_ =	shalt  }
0x4e: {  	_ =	shalt  }
0x4f: {  	_ =	shalt  }
0x50: {  	_ =	shalt  }
0x51: {  	_ =	shalt  }
0x52: {  	_ =	shalt  }
0x53: {  	_ =	shalt  }
0x54: {  	_ =	shalt  }
0x55: {  	_ =	shalt  }
0x56: {  	_ =	shalt  }
0x57: {  	_ =	shalt  }
0x58: {  	_ =	shalt  }
0x59: {  	_ =	shalt  }
0x5a: {  	_ =	shalt  }
0x5b: {  	_ =	shalt  }
0x5c: {  	_ =	shalt  }
0x5d: {  	_ =	shalt  }
0x5e: {  	_ =	shalt  }
0x5f: {  	_ =	shalt  }
0x60: {  	_ =	shalt  }
0x61: {  	_ =	shalt  }
0x62: {  	_ =	shalt  }
0x63: {  	_ =	shalt  }
0x64: {  	_ =	shalt  }
0x65: {  	_ =	shalt  }
0x66: {  	_ =	shalt  }
0x67: {  	_ =	shalt  }
0x68: {  	_ =	shalt  }
0x69: {  	_ =	shalt  }
0x6a: {  	_ =	shalt  }
0x6b: {  	_ =	shalt  }
0x6c: {  	_ =	shalt  }
0x6d: {  	_ =	shalt  }
0x6e: {  	_ =	shalt  }
0x6f: {  	_ =	shalt  }
0x70: {  	_ =	shalt  }
0x71: {  	_ =	shalt  }
0x72: {  	_ =	shalt  }
0x73: {  	_ =	shalt  }
0x74: {  	_ =	shalt  }
0x75: {  	_ =	shalt  }
0x76: {  	_ =	shalt  }
0x77: {  	_ =	shalt  }
0x78: {  	_ =	shalt  }
0x79: {  	_ =	shalt  }
0x7a: {  	_ =	shalt  }
0x7b: {  	_ =	shalt  }
0x7c: {  	_ =	shalt  }
0x7d: {  	_ =	shalt  }
0x7e: {  	_ =	shalt  }
0x7f: {  	_ =	shalt  }
0x80: {  	_ =	shalt  }
0x81: {  	_ =	shalt  }
0x82: {  	_ =	shalt  }
0x83: {  	_ =	shalt  }
0x84: {  	_ =	shalt  }
0x85: {  	_ =	shalt  }
0x86: {  	_ =	shalt  }
0x87: {  	_ =	shalt  }
.Lfunc_end0:
.L_simem_size_0:
called_computation_lowered:
.L_overlay_start_0:
0x88: {  	s2 =	sld [smem:$0x3FD9]  }
0x89: {  	s3 =	sld [smem:$0x3FFE];
	_ =	sdelay $0x1  }
0x8a: {  	s1 =	srdreg.scid  }
0x8b: {  	s0 =	sand.u32 $0x1, s1  }
0x8c: {  	s17 =	sshll.u32 s0, $0xA;
	s2 =	sadd.s32 s3, s2  }
0x8d: {  	s2 =	sadd.s32 s2, s17  }
0x8e: {  	[smem:$0x3FC5] =	sst s2  }
0x8f: {  	_ = 	snop  }
0x90: {  	s2 =	sld [smem:$0x3FC9]  }
0x91: {  	s18 =	sld [smem:$0x3FC7]  }
0x92: {  	s4 =	sld [smem:$0x3FD0];
	(tm) =	ssettm $0x1  }
0x93: {  	s5 =	sld [smem:$0x3FFB];
	_ =	sdelay $0x3  }
0x94: {  	_ =	strace s5  }
0x95: {  	s5 =	sld [smem:$0x3FFC];
	_ =	sdelay $0x3  }
0x96: {  	_ =	strace s5  }
0x97: {  	s5 =	sld [smem:$0x3FFD];
	_ =	sdelay $0x3  }
0x98: {  	_ =	strace s5  }
0x99: {  	_ =	strace $0x8FFFFFFF  }
0x9a: {  	s19 =	sld [smem:$0x3FDB];
	_ =	sdelay $0x1  }
0x9b: {  	s6 =	simm.s32 $_scs_section_size  }
0x9c: {  	s7 =	simm.s32 $_size__tile_overlayer_lowered;
	s8 =	simm.s32 $_tile_overlayer_lowered  }
0x9d: {  	s22 =	simm.s32 $0x1BFF;
	s21 =	sshll.u32 s8, $0x1;
	s5 =	sadd.s32 s6, s19  }
0x9e: {  	s9 =	simm.s32 $0x0;
	s20 =	sshll.u32 s7, $0x1;
	s7 =	sadd.s32 s21, s5  }
0x9f: {  	[timem:s9], [sflag:s22] =	dma.local [hbm:s7], s20  }
0xa0: {  	_ =	swait.ge [sflag:s22], s20  }
0xa1: {  	s6 =	ssub.s32 $0x0, s20;
	[sflag:s22] =	ssyncset.done $0x0  }
0xa2: {  	[sflag:s22] =	ssyncadd.s32 s6;
	_ =	sdelay $0x1  }
0xa3: {  	s23 =	simm.s32 $0x1B8B  }
0xa4: {  	_ =	swait.ge [sflag:s23], $0x1  }
0xa5: {  	[sflag:s23] =	ssyncset.done $0x0  }
0xa6: {  	s25 =	simm.s32 $0x1B8E;
	s24 =	sld [smem:$0x3FFE];
	[sflag:s23] =	ssyncadd.s32 $0xFFFFFFFF  }
0xa7: {  	s26 =	simm.s32 $execute0_lowered;
	[smem:$0x3FD2] =	sst s25  }
0xa8: {  	s7 =	sshll.u32 s26, $0x1;
	_ =	strace $0x80000046;
	[dreg:$0x1] =	wrdreg $0xFFFFFFFF  }
0xa9: {  	s28 =	simm.s32 $_size_execute0_lowered;
	s5 =	sadd.s32 s5, s7;
	[dreg:$0x0] =	wrdreg $0x0  }
0xaa: {  	s7 =	sshll.u32 s28, $0x1;
	[dreg:$0x2] =	wrdreg s5  }
0xab: {  	[dreg:$0x3] =	wrdreg s7  }
0xac: {  	[dreg:$0x4] =	wrdreg $0xC0  }
0xad: {  	_ =	task [dreg:s9], $0x5FFFF  }
0xae: {  	[dreg:$0x1] =	wrdreg $0xFFFFFFFF  }
0xaf: {  	[dreg:$0x0] =	wrdreg $0x60  }
0xb0: {  	[dreg:$0x2] =	wrdreg s2  }
0xb1: {  	[dreg:$0x3] =	wrdreg s24  }
0xb2: {  	[dreg:$0x4] =	wrdreg s18  }
0xb3: {  	[dreg:$0x5] =	wrdreg s4  }
0xb4: {  	[dreg:$0x6] =	wrdreg $0x9  }
0xb5: {  	_ =	task.clear_ibuf [dreg:s9], $0x7FFFF;
	_ =	strace $0x90000046  }
0xb6: {  	s29 =	simm.s32 $0x9;
	_ =	strace $0x80000048  }
0xb7: {  	_ =	swait.ge [sflag:s29], $0x1  }
0xb8: {  	[sflag:s29] =	ssyncadd.s32 $0xFFFFFFFF  }
0xb9: {  	_ =	strace $0x90000048  }
0xba: {  	_ =	sfence  }
0xbb: {  	s30 =	sld [smem:$0x0];
	_ =	sdelay $0x2  }
0xbc: {  	s31 =	sshll.u32 s1, $0xD;
	s1 =	sshrl.u32 s1, $0x2  }
0xbd: {  	s3 =	sand.u32 $0x4000, s31;
	s1 =	sadd.s32 s1, s30  }
0xbe: {  	s0 =	sor.u32 s3, s0;
	s1 =	sshll.u32 s1, $0x11  }
0xbf: {  	s0 =	sor.u32 s1, s0  }
0xc0: {  	s0 =	sadd.s32 $0x8F2B, s0  }
0xc1: {  	[sflag:s0] =	ssyncadd.remote.s32 $0x1  }
0xc2: {  	_ =	sfence.sel $0xFFFF  }
0xc3: {  	[dreg:$0x0] =	wrdreg $0xFFFFFFFF;
	(pc) =	sbr.abs _section_cstart, $3  }
0xc4: {  	[dreg:$0x1] =	wrdreg $0xFFFFFFFF  }
0xc5: {  	_ =	task.clear_ibuf [dreg:s9], $0x2FFFF;
	_ =	strace $0x9FFFFFFF  }
0xc6: {  	(tm) =	ssettm $0x7FFFFFFF  }
0xc7: {  	_ =	shalt  }
tec
execute0_lowered:
.L_overlay_start_1:
0x0: {  	(tag) =	ssettag $0x1  }
0x1: {  	s4 =	srdreg.scid  }
0x2: {  	s0 =	rddreg [dreg:$0x0];
	s5 =	stileid.u32;
	s4 =	sand.u32 $0x1, s4  }
0x3: {  	s1 =	rddreg [dreg:$0x1];
	s5 =	sshll.u32 s5, $0xA;
	s6 =	sshll.u32 s4, $0x9  }
0x4: {  	s2 =	rddreg [dreg:$0x3];
	s7 =	ssub.s32 $0x2, s4;
	s6 =	sor.u32 s6, s5  }
0x5: {  	s3 =	simm.s32 $0x0;
	s25 =	sshrl.u32 s7, $0x1;
	s5 =	sadd.s32 s0, s6  }
0x6: {  	[smem:$0x7FF] =	sst s3;
	s26 =	ssub.s32 s7, s25;
	s7 =	sadd.s32 $0x10, s5  }
0x7: {  	_ =	strace $0x80000047;
	s8 =	sadd.s32 $0x20, s5;
	[dreg:$0x5] =	wrdreg s7  }
0x8: {  	s9 =	sadd.s32 $0x30, s5;
	[dreg:$0x6] =	wrdreg s8  }
0x9: {  	s10 =	sadd.s32 $0x40, s5;
	[dreg:$0x7] =	wrdreg s9  }
0xa: {  	s11 =	sadd.s32 $0x50, s5;
	[dreg:$0x8] =	wrdreg s10  }
0xb: {  	s12 =	sadd.s32 $0x60, s5;
	[dreg:$0x9] =	wrdreg s11  }
0xc: {  	s13 =	sadd.s32 $0x70, s5;
	[dreg:$0xa] =	wrdreg s12  }
0xd: {  	s14 =	sadd.s32 $0x4000, s5;
	[dreg:$0xb] =	wrdreg s13  }
0xe: {  	s15 =	sadd.s32 $0x4010, s5;
	[dreg:$0xc] =	wrdreg s14  }
0xf: {  	s16 =	sadd.s32 $0x4020, s5;
	[dreg:$0xd] =	wrdreg s15  }
0x10: {  	s17 =	sadd.s32 $0x4030, s5;
	[dreg:$0xe] =	wrdreg s16  }
0x11: {  	s18 =	sadd.s32 $0x4040, s5;
	[dreg:$0xf] =	wrdreg s17  }
0x12: {  	s19 =	sadd.s32 $0x4050, s5;
	[dreg:$0x10] =	wrdreg s18  }
0x13: {  	s4 =	sadd.s32 $0x400, s1;
	s20 =	sadd.s32 $0x4060, s5;
	[dreg:$0x11] =	wrdreg s19  }
0x14: {  	s23 =	sshrl.u32 s6, $0x3;
	s21 =	sadd.s32 $0x4070, s5;
	[dreg:$0x12] =	wrdreg s20  }
0x15: {  	s6 =	simm.s32 $0x400;
	s22 =	sadd.s32 $0x8000, s5;
	[dreg:$0x13] =	wrdreg s21  }
0x16: {  	s24 =	sadd.s32 $0x8010, s5;
	s1 =	sadd.s32 s2, s23;
	[dreg:$0x14] =	wrdreg s22  }
0x17: {  	s25 =	sadd.s32 $0x8020, s5;
	s0 =	smax.u32 s26, $0x1;
	[dreg:$0x15] =	wrdreg s24  }
0x18: {  	s26 =	sadd.s32 $0x8030, s5;
	s28 =	sadd.s32 $0x8040, s5;
	[dreg:$0x16] =	wrdreg s1  }
0x19: {  	s29 =	sadd.s32 $0x8050, s5;
	s30 =	sadd.s32 $0x8060, s5;
	[dreg:$0x17] =	wrdreg s25  }
0x1a: {  	s31 =	sadd.s32 $0x8070, s5;
	s2 =	sadd.s32 $0xC010, s5;
	[dreg:$0x18] =	wrdreg s0  }
0x1b: {  	[dreg:$0x19] =	wrdreg s26;
	s0 =	sadd.s32 $0xC000, s5;
	s1 =	simm.s32 $0x80  }
0x1c: {  	s7 =	simm.s32 $0x800;
	s8 =	simm.s32 $0xC00;
	s9 =	simm.s32 $0x1000  }
0x1d: {  	s10 =	simm.s32 $0x1400;
	s11 =	simm.s32 $0x1800;
	s12 =	simm.s32 $0x1C00  }
0x1e: {  	s13 =	simm.s32 $0x2000;
	s14 =	simm.s32 $0x2400;
	s15 =	simm.s32 $0x2800  }
0x1f: {  	s16 =	simm.s32 $0x2C00;
	s17 =	simm.s32 $0x3000;
	s18 =	simm.s32 $0x2  }
0x20: {  	s19 =	simm.s32 $0x1;
	s20 =	simm.s32 $0x6800;
	s21 =	simm.s32 $0x0  }
.LBB2_1:
0x21: {  	[tilespmem:s3], [sflag:$0x1] =	stream.strided.gather [hbm4b:s5+s1], $0x200, s6, s1, $0x38;
	[tilespmem:$0x6A80] =	vst v63  }
0x22: {  	s22 =	rddreg [dreg:$0x5];
	s23 =	simm.s32 $0x200  }
0x23: {  	[tilespmem:s23], [sflag:$0x1] =	stream.strided.gather [hbm4b:s22+s1], $0x200, s6, s1, $0x38;
	[tilespmem:$0x6A80] =	vst v63  }
0x24: {  	s24 =	rddreg [dreg:$0x6]  }
0x25: {  	[tilespmem:s6], [sflag:$0x1] =	stream.strided.gather [hbm4b:s24+s1], $0x200, s6, s1, $0x38;
	[tilespmem:$0x6A80] =	vst v63  }
0x26: {  	s25 =	rddreg [dreg:$0x7];
	s26 =	simm.s32 $0x600  }
0x27: {  	[tilespmem:s26], [sflag:$0x1] =	stream.strided.gather [hbm4b:s25+s1], $0x200, s6, s1, $0x38;
	[tilespmem:$0x6A80] =	vst v63  }
0x28: {  	s24 =	rddreg [dreg:$0x8]  }
0x29: {  	[tilespmem:s7], [sflag:$0x1] =	stream.strided.gather [hbm4b:s24+s1], $0x200, s6, s1, $0x38;
	[tilespmem:$0x6A80] =	vst v63  }
0x2a: {  	s25 =	rddreg [dreg:$0x9];
	s26 =	simm.s32 $0xA00  }
0x2b: {  	[tilespmem:s26], [sflag:$0x1] =	stream.strided.gather [hbm4b:s25+s1], $0x200, s6, s1, $0x38;
	[tilespmem:$0x6A80] =	vst v63  }
0x2c: {  	s24 =	rddreg [dreg:$0xa]  }
0x2d: {  	[tilespmem:s8], [sflag:$0x1] =	stream.strided.gather [hbm4b:s24+s1], $0x200, s6, s1, $0x38;
	[tilespmem:$0x6A80] =	vst v63  }
0x2e: {  	s25 =	rddreg [dreg:$0xb];
	s26 =	simm.s32 $0xE00  }
0x2f: {  	[tilespmem:s26], [sflag:$0x1] =	stream.strided.gather [hbm4b:s25+s1], $0x200, s6, s1, $0x38;
	[tilespmem:$0x6A80] =	vst v63  }
0x30: {  	s24 =	rddreg [dreg:$0xc]  }
0x31: {  	[tilespmem:s9], [sflag:$0x1] =	stream.strided.gather [hbm4b:s24+s1], $0x200, s6, s1, $0x38;
	[tilespmem:$0x6A80] =	vst v63  }
0x32: {  	s25 =	rddreg [dreg:$0xd];
	s26 =	simm.s32 $0x1200  }
0x33: {  	[tilespmem:s26], [sflag:$0x1] =	stream.strided.gather [hbm4b:s25+s1], $0x200, s6, s1, $0x38;
	[tilespmem:$0x6A80] =	vst v63  }
0x34: {  	s24 =	rddreg [dreg:$0xe]  }
0x35: {  	[tilespmem:s10], [sflag:$0x1] =	stream.strided.gather [hbm4b:s24+s1], $0x200, s6, s1, $0x38;
	[tilespmem:$0x6A80] =	vst v63  }
0x36: {  	s25 =	rddreg [dreg:$0xf];
	s26 =	simm.s32 $0x1600  }
0x37: {  	[tilespmem:s26], [sflag:$0x1] =	stream.strided.gather [hbm4b:s25+s1], $0x200, s6, s1, $0x38;
	[tilespmem:$0x6A80] =	vst v63  }
0x38: {  	s24 =	rddreg [dreg:$0x10]  }
0x39: {  	[tilespmem:s11], [sflag:$0x1] =	stream.strided.gather [hbm4b:s24+s1], $0x200, s6, s1, $0x38;
	[tilespmem:$0x6A80] =	vst v63  }
0x3a: {  	s25 =	rddreg [dreg:$0x11];
	s26 =	simm.s32 $0x1A00  }
0x3b: {  	[tilespmem:s26], [sflag:$0x1] =	stream.strided.gather [hbm4b:s25+s1], $0x200, s6, s1, $0x38;
	[tilespmem:$0x6A80] =	vst v63  }
0x3c: {  	s24 =	rddreg [dreg:$0x12]  }
0x3d: {  	[tilespmem:s12], [sflag:$0x1] =	stream.strided.gather [hbm4b:s24+s1], $0x200, s6, s1, $0x38;
	[tilespmem:$0x6A80] =	vst v63  }
0x3e: {  	s25 =	rddreg [dreg:$0x13];
	s26 =	simm.s32 $0x1E00  }
0x3f: {  	[tilespmem:s26], [sflag:$0x1] =	stream.strided.gather [hbm4b:s25+s1], $0x200, s6, s1, $0x38;
	[tilespmem:$0x6A80] =	vst v63  }
0x40: {  	s23 =	rddreg [dreg:$0x14]  }
0x41: {  	[tilespmem:s13], [sflag:$0x1] =	stream.strided.gather [hbm4b:s23+s1], $0x200, s6, s1, $0x38;
	[tilespmem:$0x6A80] =	vst v63  }
0x42: {  	s24 =	rddreg [dreg:$0x15];
	s25 =	simm.s32 $0x2200  }
0x43: {  	[tilespmem:s25], [sflag:$0x1] =	stream.strided.gather [hbm4b:s24+s1], $0x200, s6, s1, $0x38;
	[tilespmem:$0x6A80] =	vst v63  }
0x44: {  	s26 =	rddreg [dreg:$0x17]  }
0x45: {  	[tilespmem:s14], [sflag:$0x1] =	stream.strided.gather [hbm4b:s26+s1], $0x200, s6, s1, $0x38;
	[tilespmem:$0x6A80] =	vst v63  }
0x46: {  	s23 =	rddreg [dreg:$0x19];
	s24 =	simm.s32 $0x2600  }
0x47: {  	[tilespmem:s24], [sflag:$0x1] =	stream.strided.gather [hbm4b:s23+s1], $0x200, s6, s1, $0x38;
	[tilespmem:$0x6A80] =	vst v63  }
0x48: {  	_ = 	snop  }
0x49: {  	[tilespmem:s15], [sflag:$0x1] =	stream.strided.gather [hbm4b:s28+s1], $0x200, s6, s1, $0x38;
	[tilespmem:$0x6A80] =	vst v63  }
0x4a: {  	s25 =	simm.s32 $0x2A00  }
0x4b: {  	[tilespmem:s25], [sflag:$0x1] =	stream.strided.gather [hbm4b:s29+s1], $0x200, s6, s1, $0x38;
	[tilespmem:$0x6A80] =	vst v63  }
0x4c: {  	_ = 	snop  }
0x4d: {  	[tilespmem:s16], [sflag:$0x1] =	stream.strided.gather [hbm4b:s30+s1], $0x200, s6, s1, $0x38;
	[tilespmem:$0x6A80] =	vst v63  }
0x4e: {  	s26 =	simm.s32 $0x2E00  }
0x4f: {  	[tilespmem:s26], [sflag:$0x1] =	stream.strided.gather [hbm4b:s31+s1], $0x200, s6, s1, $0x38;
	[tilespmem:$0x6A80] =	vst v63  }
0x50: {  	_ = 	snop  }
0x51: {  	[tilespmem:s17], [sflag:$0x1] =	stream.strided.gather [hbm4b:s0+s1], $0x200, s6, s1, $0x38;
	[tilespmem:$0x6A80] =	vst v63  }
0x52: {  	s23 =	simm.s32 $0x3200  }
0x53: {  	[tilespmem:s23], [sflag:$0x1] =	stream.strided.gather [hbm4b:s2+s1], $0x200, s6, s1, $0x38;
	[tilespmem:$0x6A80] =	vst v63  }
0x54: {  	s24 =	rddreg [dreg:$0x2];
	s25 =	simm.s32 $0x6A00  }
0x55: {  	[tilespmem:s25], [sflag:$0x2] =	stream.linear.gather [hbm4b:s24+s3], $0x1, $0x38;
	[tilespmem:$0x6A80] =	vst v63  }
0x56: {  	_ =	swait.ge [sflag:s18], $0x1  }
0x57: {  	[sflag:s18] =	ssyncset.done $0x0  }
0x58: {  	[sflag:s18] =	ssyncadd.s32 $0xFFFFFFFF  }
0x59: {  	_ =	swait.ge [sflag:s19], $0x3400  }
0x5a: {  	[sflag:s19] =	ssyncset.done $0x0  }
0x5b: {  	s22 =	simm.s32 $0x3400;
	[sflag:s19] =	ssyncadd.s32 $0xFFFFCC00  }
0x5c: {  	[tilespmem:s22], [sflag:$0x1] =	stream.indirect.gather [hbm4b:s4+s6], $0x1, s3, s6, $0xb8;
	[tilespmem:$0x6A80] =	vst v63  }
0x5d: {  	s26 =	simm.s32 $0x3800  }
0x5e: {  	[tilespmem:s26], [sflag:$0x1] =	stream.indirect.gather [hbm4b:s4+s6], $0x1, s6, s6, $0xb8;
	[tilespmem:$0x6A80] =	vst v63  }
0x5f: {  	s24 =	simm.s32 $0x3C00  }
0x60: {  	[tilespmem:s24], [sflag:$0x1] =	stream.indirect.gather [hbm4b:s4+s6], $0x1, s7, s6, $0xb8;
	[tilespmem:$0x6A80] =	vst v63  }
0x61: {  	s25 =	simm.s32 $0x4000  }
0x62: {  	[tilespmem:s25], [sflag:$0x1] =	stream.indirect.gather [hbm4b:s4+s6], $0x1, s8, s6, $0xb8;
	[tilespmem:$0x6A80] =	vst v63  }
0x63: {  	s26 =	simm.s32 $0x4400  }
0x64: {  	[tilespmem:s26], [sflag:$0x1] =	stream.indirect.gather [hbm4b:s4+s6], $0x1, s9, s6, $0xb8;
	[tilespmem:$0x6A80] =	vst v63  }
0x65: {  	s24 =	simm.s32 $0x4800  }
0x66: {  	[tilespmem:s24], [sflag:$0x1] =	stream.indirect.gather [hbm4b:s4+s6], $0x1, s10, s6, $0xb8;
	[tilespmem:$0x6A80] =	vst v63  }
0x67: {  	s25 =	simm.s32 $0x4C00  }
0x68: {  	[tilespmem:s25], [sflag:$0x1] =	stream.indirect.gather [hbm4b:s4+s6], $0x1, s11, s6, $0xb8;
	[tilespmem:$0x6A80] =	vst v63  }
0x69: {  	s26 =	simm.s32 $0x5000  }
0x6a: {  	[tilespmem:s26], [sflag:$0x1] =	stream.indirect.gather [hbm4b:s4+s6], $0x1, s12, s6, $0xb8;
	[tilespmem:$0x6A80] =	vst v63  }
0x6b: {  	s24 =	simm.s32 $0x5400  }
0x6c: {  	[tilespmem:s24], [sflag:$0x1] =	stream.indirect.gather [hbm4b:s4+s6], $0x1, s13, s6, $0xb8;
	[tilespmem:$0x6A80] =	vst v63  }
0x6d: {  	s25 =	simm.s32 $0x5800  }
0x6e: {  	[tilespmem:s25], [sflag:$0x1] =	stream.indirect.gather [hbm4b:s4+s6], $0x1, s14, s6, $0xb8;
	[tilespmem:$0x6A80] =	vst v63  }
0x6f: {  	s26 =	simm.s32 $0x5C00  }
0x70: {  	[tilespmem:s26], [sflag:$0x1] =	stream.indirect.gather [hbm4b:s4+s6], $0x1, s15, s6, $0xb8;
	[tilespmem:$0x6A80] =	vst v63  }
0x71: {  	s24 =	simm.s32 $0x6000  }
0x72: {  	[tilespmem:s24], [sflag:$0x1] =	stream.indirect.gather [hbm4b:s4+s6], $0x1, s16, s6, $0xb8;
	[tilespmem:$0x6A80] =	vst v63  }
0x73: {  	s25 =	simm.s32 $0x6400  }
0x74: {  	[tilespmem:s25], [sflag:$0x1] =	stream.indirect.gather [hbm4b:s4+s6], $0x1, s17, s6, $0xb8;
	[tilespmem:$0x6A80] =	vst v63  }
0x75: {  	_ =	swait.ge [sflag:s19], $0x3400  }
0x76: {  	[sflag:s19] =	ssyncset.done $0x0  }
0x77: {  	[sflag:s19] =	ssyncadd.s32 $0xFFFFCC00  }
0x78: {  	v0 =	vld [tilespmem:$0x6A00];
	_ =	sdelay $0x3  }
0x79: {  	v1 =	vld [tilespmem:s22+$0x0]  }
0x7a: {  	s26 =	sand.u32 $0x1F0, s3;
	v0 =	vadd.f32 $0.0e+00, v0  }
0x7b: {  	v2 =	vld [tilespmem:s26+$0x3600]  }
0x7c: {  	v0 =	vbroadcast v0, $0x0  }
0x7d: {  	v3 =	vld [tilespmem:s26+$0x3800]  }
0x7e: {  	v1 =	vadd.f32 v1, v0  }
0x7f: {  	v4 =	vld [tilespmem:s26+$0x3A00]  }
0x80: {  	v1 =	vadd.f32 v2, v1  }
0x81: {  	v2 =	vld [tilespmem:s26+$0x3C00]  }
0x82: {  	v1 =	vadd.f32 v3, v1  }
0x83: {  	v3 =	vld [tilespmem:s26+$0x3E00]  }
0x84: {  	v1 =	vadd.f32 v4, v1  }
0x85: {  	v57 =	vld [tilespmem:s26+$0x4000]  }
0x86: {  	v1 =	vadd.f32 v2, v1  }
0x87: {  	v2 =	vld [tilespmem:s26+$0x4200]  }
0x88: {  	v1 =	vadd.f32 v3, v1  }
0x89: {  	v3 =	vld [tilespmem:s26+$0x4400]  }
0x8a: {  	v1 =	vadd.f32 v57, v1  }
0x8b: {  	v58 =	vld [tilespmem:s26+$0x4600]  }
0x8c: {  	v1 =	vadd.f32 v2, v1  }
0x8d: {  	v2 =	vld [tilespmem:s26+$0x4800]  }
0x8e: {  	v1 =	vadd.f32 v3, v1  }
0x8f: {  	v3 =	vld [tilespmem:s26+$0x4A00]  }
0x90: {  	v1 =	vadd.f32 v58, v1  }
0x91: {  	v59 =	vld [tilespmem:s26+$0x4C00]  }
0x92: {  	v1 =	vadd.f32 v2, v1  }
0x93: {  	v2 =	vld [tilespmem:s26+$0x4E00]  }
0x94: {  	v1 =	vadd.f32 v3, v1  }
0x95: {  	v3 =	vld [tilespmem:s26+$0x5000]  }
0x96: {  	v1 =	vadd.f32 v59, v1  }
0x97: {  	v60 =	vld [tilespmem:s26+$0x5200]  }
0x98: {  	v1 =	vadd.f32 v2, v1  }
0x99: {  	v2 =	vld [tilespmem:s26+$0x5400]  }
0x9a: {  	v1 =	vadd.f32 v3, v1  }
0x9b: {  	v3 =	vld [tilespmem:s26+$0x5600]  }
0x9c: {  	v1 =	vadd.f32 v60, v1  }
0x9d: {  	v61 =	vld [tilespmem:s26+$0x5800]  }
0x9e: {  	v1 =	vadd.f32 v2, v1  }
0x9f: {  	v2 =	vld [tilespmem:s26+$0x5A00]  }
0xa0: {  	v1 =	vadd.f32 v3, v1  }
0xa1: {  	v3 =	vld [tilespmem:s26+$0x5C00]  }
0xa2: {  	v1 =	vadd.f32 v61, v1  }
0xa3: {  	v62 =	vld [tilespmem:s26+$0x5E00]  }
0xa4: {  	v1 =	vadd.f32 v2, v1  }
0xa5: {  	v2 =	vld [tilespmem:s26+$0x6000]  }
0xa6: {  	v1 =	vadd.f32 v3, v1  }
0xa7: {  	v3 =	vld [tilespmem:s26+$0x6200]  }
0xa8: {  	v1 =	vadd.f32 v62, v1  }
0xa9: {  	v63 =	vld [tilespmem:s26+$0x6400]  }
0xaa: {  	v1 =	vadd.f32 v2, v1  }
0xab: {  	v2 =	vld [tilespmem:s26+$0x6600]  }
0xac: {  	v1 =	vadd.f32 v3, v1;
	_ =	sdelay $0x1  }
0xad: {  	v1 =	vadd.f32 v63, v1;
	_ =	sdelay $0x1  }
0xae: {  	v1 =	vadd.f32 v2, v1;
	_ =	sdelay $0x1  }
0xaf: {  	s23 =	simm.s32 $0x3410;
	[tilespmem:s20+$0x0] =	vst v1  }
0xb0: {  	s24 =	simm.s32 $0x10;
	s25 =	simm.s32 $0x20;
	s22 =	simm.s32 $0x6800;
	v1 =	vld [tilespmem:s23+$0x0]  }
.LBB2_2:
0xb1: {  	p0 =	sne.s32 s25, $0x1F0;
	s26 =	sand.u32 $0x1F0, s24;
	s24 =	smov.u32 s25  }
0xb2: {  	v2 =	vld [tilespmem:s26+$0x3600];
	_ =	sdelay $0x1  }
0xb3: {  	v3 =	vld [tilespmem:s26+$0x3800]  }
0xb4: {  	v1 =	vadd.f32 v1, v0  }
0xb5: {  	v4 =	vld [tilespmem:s26+$0x3A00]  }
0xb6: {  	v1 =	vadd.f32 v2, v1  }
0xb7: {  	v2 =	vld [tilespmem:s26+$0x3C00]  }
0xb8: {  	v1 =	vadd.f32 v3, v1  }
0xb9: {  	v3 =	vld [tilespmem:s26+$0x3E00]  }
0xba: {  	v1 =	vadd.f32 v4, v1  }
0xbb: {  	v4 =	vld [tilespmem:s26+$0x4000]  }
0xbc: {  	v1 =	vadd.f32 v2, v1  }
0xbd: {  	v2 =	vld [tilespmem:s26+$0x4200]  }
0xbe: {  	v1 =	vadd.f32 v3, v1  }
0xbf: {  	v3 =	vld [tilespmem:s26+$0x4400]  }
0xc0: {  	v1 =	vadd.f32 v4, v1  }
0xc1: {  	v4 =	vld [tilespmem:s26+$0x4600]  }
0xc2: {  	v1 =	vadd.f32 v2, v1  }
0xc3: {  	v2 =	vld [tilespmem:s26+$0x4800]  }
0xc4: {  	v1 =	vadd.f32 v3, v1  }
0xc5: {  	v3 =	vld [tilespmem:s26+$0x4A00]  }
0xc6: {  	v1 =	vadd.f32 v4, v1  }
0xc7: {  	v4 =	vld [tilespmem:s26+$0x4C00]  }
0xc8: {  	v1 =	vadd.f32 v2, v1  }
0xc9: {  	v2 =	vld [tilespmem:s26+$0x4E00]  }
0xca: {  	v1 =	vadd.f32 v3, v1  }
0xcb: {  	v3 =	vld [tilespmem:s26+$0x5000]  }
0xcc: {  	v1 =	vadd.f32 v4, v1  }
0xcd: {  	v4 =	vld [tilespmem:s26+$0x5200]  }
0xce: {  	v1 =	vadd.f32 v2, v1  }
0xcf: {  	v2 =	vld [tilespmem:s26+$0x5400]  }
0xd0: {  	v1 =	vadd.f32 v3, v1  }
0xd1: {  	v3 =	vld [tilespmem:s26+$0x5600]  }
0xd2: {  	v1 =	vadd.f32 v4, v1  }
0xd3: {  	v4 =	vld [tilespmem:s26+$0x5800]  }
0xd4: {  	v1 =	vadd.f32 v2, v1  }
0xd5: {  	v2 =	vld [tilespmem:s26+$0x5A00]  }
0xd6: {  	v1 =	vadd.f32 v3, v1  }
0xd7: {  	v3 =	vld [tilespmem:s26+$0x5C00]  }
0xd8: {  	v1 =	vadd.f32 v4, v1  }
0xd9: {  	v4 =	vld [tilespmem:s26+$0x5E00]  }
0xda: {  	v1 =	vadd.f32 v2, v1  }
0xdb: {  	v2 =	vld [tilespmem:s26+$0x6000]  }
0xdc: {  	v1 =	vadd.f32 v3, v1  }
0xdd: {  	v3 =	vld [tilespmem:s26+$0x6200]  }
0xde: {  	v1 =	vadd.f32 v4, v1  }
0xdf: {  	v4 =	vld [tilespmem:s26+$0x6400]  }
0xe0: {  	v1 =	vadd.f32 v2, v1  }
0xe1: {  	v2 =	vld [tilespmem:s26+$0x6600]  }
0xe2: {  	v1 =	vadd.f32 v3, v1;
	_ =	sdelay $0x1  }
0xe3: {  	v1 =	vadd.f32 v4, v1  }
.Ltmp0:
0xe4: {  	(pc) =	sbr.rel @p0 .LBB2_2-.Ltmp0, $4  }
0xe5: {  	v1 =	vadd.f32 v2, v1  }
0xe6: {  	s22 =	sadd.s32 $0x10, s22  }
0xe7: {  	s23 =	sadd.s32 $0x10, s23;
	[tilespmem:s22+$0x0] =	vst v1  }
0xe8: {  	s25 =	sadd.s32 $0x10, s25;
	v1 =	vld [tilespmem:s23+$0x0]  }
0xe9: {  	s23 =	sand.u32 $0x1F0, s24  }
0xea: {  	v2 =	vld [tilespmem:s23+$0x3600];
	_ =	sdelay $0x1  }
0xeb: {  	v3 =	vld [tilespmem:s23+$0x3800]  }
0xec: {  	v0 =	vadd.f32 v1, v0  }
0xed: {  	v41 =	vld [tilespmem:s23+$0x3A00]  }
0xee: {  	v0 =	vadd.f32 v2, v0  }
0xef: {  	v42 =	vld [tilespmem:s23+$0x3C00]  }
0xf0: {  	v0 =	vadd.f32 v3, v0  }
0xf1: {  	v43 =	vld [tilespmem:s23+$0x3E00]  }
0xf2: {  	v0 =	vadd.f32 v41, v0  }
0xf3: {  	v44 =	vld [tilespmem:s23+$0x4000]  }
0xf4: {  	v0 =	vadd.f32 v42, v0  }
0xf5: {  	v45 =	vld [tilespmem:s23+$0x4200]  }
0xf6: {  	v0 =	vadd.f32 v43, v0  }
0xf7: {  	v46 =	vld [tilespmem:s23+$0x4400]  }
0xf8: {  	v0 =	vadd.f32 v44, v0  }
0xf9: {  	v47 =	vld [tilespmem:s23+$0x4600]  }
0xfa: {  	v0 =	vadd.f32 v45, v0  }
0xfb: {  	v48 =	vld [tilespmem:s23+$0x4800]  }
0xfc: {  	v0 =	vadd.f32 v46, v0  }
0xfd: {  	v49 =	vld [tilespmem:s23+$0x4A00]  }
0xfe: {  	v0 =	vadd.f32 v47, v0  }
0xff: {  	v50 =	vld [tilespmem:s23+$0x4C00]  }
0x100: {  	v0 =	vadd.f32 v48, v0  }
0x101: {  	v51 =	vld [tilespmem:s23+$0x4E00]  }
0x102: {  	v0 =	vadd.f32 v49, v0  }
0x103: {  	v52 =	vld [tilespmem:s23+$0x5000]  }
0x104: {  	v0 =	vadd.f32 v50, v0  }
0x105: {  	v53 =	vld [tilespmem:s23+$0x5200]  }
0x106: {  	v0 =	vadd.f32 v51, v0  }
0x107: {  	v54 =	vld [tilespmem:s23+$0x5400]  }
0x108: {  	v0 =	vadd.f32 v52, v0  }
0x109: {  	v55 =	vld [tilespmem:s23+$0x5600]  }
0x10a: {  	v0 =	vadd.f32 v53, v0  }
0x10b: {  	v56 =	vld [tilespmem:s23+$0x5800]  }
0x10c: {  	v0 =	vadd.f32 v54, v0  }
0x10d: {  	v57 =	vld [tilespmem:s23+$0x5A00]  }
0x10e: {  	v0 =	vadd.f32 v55, v0  }
0x10f: {  	v58 =	vld [tilespmem:s23+$0x5C00]  }
0x110: {  	v0 =	vadd.f32 v56, v0  }
0x111: {  	v59 =	vld [tilespmem:s23+$0x5E00]  }
0x112: {  	v0 =	vadd.f32 v57, v0  }
0x113: {  	v60 =	vld [tilespmem:s23+$0x6000]  }
0x114: {  	v0 =	vadd.f32 v58, v0  }
0x115: {  	v61 =	vld [tilespmem:s23+$0x6200]  }
0x116: {  	v0 =	vadd.f32 v59, v0  }
0x117: {  	v62 =	vld [tilespmem:s23+$0x6400]  }
0x118: {  	v0 =	vadd.f32 v60, v0  }
0x119: {  	v63 =	vld [tilespmem:s23+$0x6600]  }
0x11a: {  	v0 =	vadd.f32 v61, v0;
	_ =	sdelay $0x1  }
0x11b: {  	v0 =	vadd.f32 v62, v0;
	_ =	sdelay $0x1  }
0x11c: {  	v0 =	vadd.f32 v63, v0  }
0x11d: {  	s22 =	sadd.s32 $0x10, s22  }
0x11e: {  	s25 =	rddreg [dreg:$0x16];
	[tilespmem:s22+$0x0] =	vst v0  }
0x11f: {  	[hbm4b:s25+s3] =	stream.linear.scatter [tilespmem:s20], [sflag:$0x2], $0x200, $0x38;
	[tilespmem:$0x6A80] =	vst v63  }
0x120: {  	_ =	swait.ge [sflag:s18], $0x200  }
0x121: {  	s21 =	sadd.s32 $0x1, s21;
	s26 =	rddreg [dreg:$0x18]  }
0x122: {  	p0 =	sne.s32 s21, s26  }
.Ltmp1:
0x123: {  	_ = 	snop;
	(pc) =	sbr.rel @p0 .LBB2_1-.Ltmp1, $3  }
0x124: {  	_ =	sdelay $0x1  }
0x125: {  	[sflag:s18] =	ssyncset.done $0x0  }
0x126: {  	[sflag:s18] =	ssyncadd.s32 $0xFFFFFE00  }
0x127: {  	_ =	sfence.sel $0x180000  }
0x128: {  	[bflag:$0x0] =	sbarrier.arrive $0xFFFF  }
0x129: {  	_ =	strace $0x90000047  }
0x12a: {  	s0 =	stileid.u32;
	[bflag:$0x2] =	sbarrier.arrive $0xFFFF  }
0x12b: {  	p0 =	sne.s32 s0, $0x0;
	s0 =	rddreg [dreg:$0x4]  }
0x12c: {  	s0 =	sadd.s32 @!p0 $0x100000, s0  }
0x12d: {  	[sflag:s0] =	ssyncadd.tile.s32 @!p0 $0x1;
	_ =	shalt  }
.Lfunc_end2:
_tile_overlayer_lowered:
.L_overlay_start_2:
0x12e: {  	(tag) =	ssettag $0x2  }
0x12f: {  	s0 =	rddreg [dreg:$0x0];
	s2 =	stileid.u32  }
0x130: {  	s1 =	rddreg [dreg:$0x1];
	p0 =	sne.s32 s2, $0x0  }
0x131: {  	s3 =	rddreg [dreg:$0x2];
	[bflag:$0x3] =	sbarrier.arrive $0xFFFF;
	s2 =	simm.s32 @!p0 $0x1C02  }
0x132: {  	[timem:s3], [sflag:s2] =	dma.local @!p0 [hbm:s0], s1  }
0x133: {  	s0 =	simm.s32 @!p0 $0x2  }
0x134: {  	_ =	swait.ge @!p0 [sflag:s0], s1  }
0x135: {  	s1 =	ssub.s32 @!p0 $0x0, s1;
	[sflag:s0] =	ssyncset.done @!p0 $0x0  }
0x136: {  	[sflag:s0] =	ssyncadd.s32 @!p0 s1  }
0x137: {  	[bflag:$0x3] =	sbarrier.arrive $0xFFFF  }
0x138: {  	_ =	shalt  }

</sc_bundles>
